<compile_context>
chip_gen: v7x
topology: tpu7x:2x2x1
jax: 0.10.2.dev20260603
libtpu: 0.0.44.dev20260713+nightly
codegen_flags: <defaults>
</compile_context>

<pallas_src>
import functools

import jax
import jax.numpy as jnp
from jax import lax
from jax.experimental import pallas as pl
from jax.experimental.pallas import tpu as pltpu
from jax.experimental.pallas import tpu_sc as plsc

N_TOKENS = 32768
D_MODEL = 768
N_EXPERTS = 8
ALPHA = 0.05

NC = 2
NS = 16
L = 16
NW = NC * NS
TPW = N_TOKENS // NW
NGROUPS = TPW // L

BT = 4096


def _logits_body(x_ref, w_ref, b_ref, o_ref):
    o_ref[...] = (
        jnp.dot(x_ref[...], w_ref[...], preferred_element_type=jnp.float32)
        + b_ref[...]
    )


def _compute_logits(x, W, b2d):
    return pl.pallas_call(
        _logits_body,
        grid=(N_TOKENS // BT,),
        in_specs=[
            pl.BlockSpec((BT, D_MODEL), lambda i: (i, 0)),
            pl.BlockSpec((D_MODEL, N_EXPERTS), lambda i: (0, 0)),
            pl.BlockSpec((1, N_EXPERTS), lambda i: (0, 0)),
        ],
        out_specs=pl.BlockSpec((BT, N_EXPERTS), lambda i: (i, 0)),
        out_shape=jax.ShapeDtypeStruct((N_TOKENS, N_EXPERTS), jnp.float32),
    )(x, W, b2d)


def _router_body(lg_hbm, probs_hbm, idx_hbm, tp_hbm, part_hbm,
                 lg_v, pr_v, idx_v, tp_v, vec_v, big_v, shared,
                 sem_pr, sem_idx, sem_tp):
    cid = lax.axis_index("c")
    sid = lax.axis_index("s")
    wid = sid * NC + cid
    base = wid * TPW

    pltpu.sync_copy(lg_hbm.at[pl.ds(base * N_EXPERTS, TPW * N_EXPERTS)], lg_v)

    lanes = lax.iota(jnp.int32, L)
    zf = jnp.zeros((L,), jnp.float32)

    def one_group(g, ce_acc, cnt_acc):
        tok8 = (g * L + lanes) * N_EXPERTS
        ls = [plsc.load_gather(lg_v, [tok8 + e]) for e in range(N_EXPERTS)]
        vals = ls
        idxs = [jnp.full((L,), e, jnp.int32) for e in range(N_EXPERTS)]
        while len(vals) > 1:
            nv, ni = [], []
            for a in range(0, len(vals), 2):
                gt = vals[a + 1] > vals[a]
                nv.append(jnp.where(gt, vals[a + 1], vals[a]))
                ni.append(jnp.where(gt, idxs[a + 1], idxs[a]))
            vals, idxs = nv, ni
        m, amax = vals[0], idxs[0]
        ps = [jnp.exp(ls[e] - m) for e in range(N_EXPERTS)]
        s01, s23 = ps[0] + ps[1], ps[2] + ps[3]
        s45, s67 = ps[4] + ps[5], ps[6] + ps[7]
        s = (s01 + s23) + (s45 + s67)
        inv = 1.0 / s
        new_ce = []
        new_cnt = []
        for e in range(N_EXPERTS):
            pe = ps[e] * inv
            plsc.store_scatter(pr_v, [tok8 + e], pe)
            new_ce.append(ce_acc[e] + pe)
            new_cnt.append(cnt_acc[e] + jnp.where(amax == e, 1.0, 0.0))
        idx_v[pl.ds(g * L, L)] = amax
        tp_v[pl.ds(g * L, L)] = inv
        return tuple(new_ce), tuple(new_cnt)

    def group2(h, carry):
        ce_acc, cnt_acc = carry
        ce_acc, cnt_acc = one_group(2 * h, ce_acc, cnt_acc)
        ce_acc, cnt_acc = one_group(2 * h + 1, ce_acc, cnt_acc)
        return (ce_acc, cnt_acc)

    init = (tuple(zf for _ in range(N_EXPERTS)),
            tuple(zf for _ in range(N_EXPERTS)))
    ce_acc, cnt_acc = lax.fori_loop(0, NGROUPS // 2, group2, init)

    cp_pr = pltpu.make_async_copy(
        pr_v, probs_hbm.at[pl.ds(base * N_EXPERTS, TPW * N_EXPERTS)], sem_pr)
    cp_pr.start()
    cp_idx = pltpu.make_async_copy(idx_v, idx_hbm.at[pl.ds(base, TPW)], sem_idx)
    cp_idx.start()
    cp_tp = pltpu.make_async_copy(tp_v, tp_hbm.at[pl.ds(base, TPW)], sem_tp)
    cp_tp.start()

    def lanesum(vec):
        for sh in (8, 4, 2, 1):
            vec = vec + vec.at[lanes ^ sh].get(mode="promise_in_bounds")
        return vec

    v = zf
    for e in range(N_EXPERTS):
        v = jnp.where(lanes == e, lanesum(ce_acc[e]), v)
        v = jnp.where(lanes == N_EXPERTS + e, lanesum(cnt_acc[e]), v)
    vec_v[...] = v

    pltpu.sync_copy(vec_v, shared.at[pl.ds(sid * L, L)])
    plsc.subcore_barrier()

    @pl.when(sid == 0)
    def _():
        pltpu.sync_copy(shared, big_v)
        acc = zf
        for s_ in range(NS):
            acc = acc + big_v[pl.ds(s_ * L, L)]
        vec_v[...] = acc
        pltpu.sync_copy(vec_v, part_hbm.at[cid])

    cp_pr.wait()
    cp_idx.wait()
    cp_tp.wait()


_router = functools.partial(
    pl.kernel,
    out_type=(
        jax.ShapeDtypeStruct((N_TOKENS * N_EXPERTS,), jnp.float32),
        jax.ShapeDtypeStruct((N_TOKENS,), jnp.int32),
        jax.ShapeDtypeStruct((N_TOKENS,), jnp.float32),
        jax.ShapeDtypeStruct((NC, L), jnp.float32),
    ),
    mesh=plsc.VectorSubcoreMesh(core_axis_name="c", subcore_axis_name="s"),
    compiler_params=pltpu.CompilerParams(needs_layout_passes=False),
    scratch_types=[
        pltpu.VMEM((TPW * N_EXPERTS,), jnp.float32),
        pltpu.VMEM((TPW * N_EXPERTS,), jnp.float32),
        pltpu.VMEM((TPW,), jnp.int32),
        pltpu.VMEM((TPW,), jnp.float32),
        pltpu.VMEM((L,), jnp.float32),
        pltpu.VMEM((NS * L,), jnp.float32),
        pltpu.VMEM_SHARED((NS * L,), jnp.float32),
        pltpu.SemaphoreType.DMA,
        pltpu.SemaphoreType.DMA,
        pltpu.SemaphoreType.DMA,
    ],
)(_router_body)


@jax.jit
def kernel(x, W, b):
    logits = _compute_logits(x, W, b.reshape(1, N_EXPERTS))
    probs, top1_idx, top1_prob, part = _router(logits.reshape(-1))
    s = part[0] + part[1]
    aux = (ALPHA * N_EXPERTS / (N_TOKENS * N_TOKENS)) * jnp.sum(
        s[:N_EXPERTS] * s[N_EXPERTS:]
    )
    return probs.reshape(N_TOKENS, N_EXPERTS), top1_idx, top1_prob, aux

# --- scband reference (transcript-rebuilt; emitter-appended) ---
"""Pipeline reference for scband-top1-router-87565793231315 (READ-ONLY COPY).

The authoritative reference and input builder live on the scoring server;
editing this copy changes nothing except your own understanding.
"""

import jax, jax.numpy as jnp
import numpy as np

N_TOKENS = 32768
D_MODEL = 768
N_EXPERTS = 8
LOAD_BALANCE_ALPHA = 0.05


def setup_inputs(seed: int = 0) -> dict:
    key = jax.random.key(seed)
    k1, k2, k3 = jax.random.split(key, 3)
    x = jax.random.normal(k1, (N_TOKENS, D_MODEL), dtype=jnp.float32)
    # nn.Linear(d_model, n_experts): weight [E, d], bias [E]; store transposed for x @ W
    W = jax.random.normal(k2, (D_MODEL, N_EXPERTS), dtype=jnp.float32) * (1.0 / np.sqrt(D_MODEL))
    b = jax.random.normal(k3, (N_EXPERTS,), dtype=jnp.float32) * (1.0 / np.sqrt(D_MODEL))
    return {"x": x, "W": W, "b": b}


def reference(x, W, b):
    n_experts = W.shape[1]
    logits = x @ W + b
    probs = jax.nn.softmax(logits, axis=-1)
    top1_idx = jnp.argmax(probs, axis=-1)
    top1_prob = jnp.max(probs, axis=-1)
    # torch.no_grad() block -> stop_gradient on both me and ce
    one_hot_assign = jax.nn.one_hot(top1_idx, n_experts, dtype=jnp.float32)
    me = jax.lax.stop_gradient(one_hot_assign.mean(axis=0))
    ce = jax.lax.stop_gradient(probs.mean(axis=0))
    aux = n_experts * (me * ce).sum()
    aux = LOAD_BALANCE_ALPHA * aux
    # router_z_loss_coef == 0.0, so no z-loss term
    return (probs, top1_idx, top1_prob, aux)

if __name__ == "__main__":
    import jax
    _d = setup_inputs()
    print(jax.jit(kernel)(*tuple(_d.values())))

</pallas_src>

<mosaic_0001>
#map = affine_map<(d0, d1) -> (0)>
#map1 = affine_map<(d0, d1) -> (0, 0)>
module attributes {stable_mosaic.version = 14 : i64} {
  func.func @_router_body(%arg0: i32, %arg1: i32, %arg2: memref<262144xf32, #tpu.memory_space<hbm>>, %arg3: memref<262144xf32, #tpu.memory_space<hbm>>, %arg4: memref<32768xi32, #tpu.memory_space<hbm>>, %arg5: memref<32768xf32, #tpu.memory_space<hbm>>, %arg6: memref<2x16xf32, #tpu.memory_space<hbm>>, %arg7: memref<8192xf32, #tpu.memory_space<vmem>>, %arg8: memref<8192xf32, #tpu.memory_space<vmem>>, %arg9: memref<1024xi32, #tpu.memory_space<vmem>>, %arg10: memref<1024xf32, #tpu.memory_space<vmem>>, %arg11: memref<16xf32, #tpu.memory_space<vmem>>, %arg12: memref<256xf32, #tpu.memory_space<vmem>>, %arg13: memref<256xf32, #tpu.memory_space<vmem_shared>>, %arg14: memref<!tpu.dma_semaphore, #tpu.memory_space<semaphore_mem>>, %arg15: memref<!tpu.dma_semaphore, #tpu.memory_space<semaphore_mem>>, %arg16: memref<!tpu.dma_semaphore, #tpu.memory_space<semaphore_mem>>) attributes {dimension_semantics = [#tpu.dimension_semantics<core_parallel>, #tpu.dimension_semantics<subcore_parallel>], iteration_bounds = array<i64: 2, 16>, scalar_prefetch = 0 : i64, scratch_operands = 10 : i64, tpu.core_type = #tpu.core_type<sc_vector_subcore>, window_params = [{transform_indices = #map}, {transform_indices = #map}, {transform_indices = #map}, {transform_indices = #map}, {transform_indices = #map1}]} {
    %mul3A = arith.constant 2 : i32
    %mul3A_0 = arith.muli %arg1, %mul3A : i32
    %add3A = arith.addi %mul3A_0, %arg0 : i32
    %mul3A_1 = arith.constant 1024 : i32
    %mul3A_2 = arith.muli %add3A, %mul3A_1 : i32
    %mul3A_3 = arith.constant 8 : i32
    %mul3A_4 = arith.muli %mul3A_2, %mul3A_3 : i32
    "tpu.region"() ({
      %run_scoped3A = tpu.sem_alloc : memref<!tpu.dma_semaphore, #tpu.memory_space<semaphore_mem>>
      %dma_start3A_984 = tpu.memref_slice %arg2[%mul3A_4] : memref<262144xf32, #tpu.memory_space<hbm>> -> memref<8192xf32, #tpu.memory_space<hbm>>
      %dma_start3A_985 = tpu.memref_slice %arg2[%mul3A_4] : memref<262144xf32, #tpu.memory_space<hbm>> -> memref<8192xf32, #tpu.memory_space<hbm>>
      tpu.enqueue_dma source(%dma_start3A_985 : memref<8192xf32, #tpu.memory_space<hbm>>) target(%arg7 : memref<8192xf32, #tpu.memory_space<vmem>>) target_semaphore(%run_scoped3A : memref<!tpu.dma_semaphore, #tpu.memory_space<semaphore_mem>>)
      %dma_wait3A_986 = tpu.memref_slice %arg2[%mul3A_4] : memref<262144xf32, #tpu.memory_space<hbm>> -> memref<8192xf32, #tpu.memory_space<hbm>>
      %dma_wait3A_987 = tpu.memref_slice %arg2[%mul3A_4] : memref<262144xf32, #tpu.memory_space<hbm>> -> memref<8192xf32, #tpu.memory_space<hbm>>
      tpu.wait_dma2 semaphore(%run_scoped3A : memref<!tpu.dma_semaphore, #tpu.memory_space<semaphore_mem>>) src(%dma_wait3A_987 : memref<8192xf32, #tpu.memory_space<hbm>>) dst(%arg7 : memref<8192xf32, #tpu.memory_space<vmem>>)
      tpu.yield
    }) : () -> ()
    %iota3A = tpu.iota {dimensions = array<i32: 0>} : vector<16xi32>
    %broadcast_in_dim3A = arith.constant 0.000000e+00 : f32
    %broadcast_in_dim3A_5 = vector.broadcast %broadcast_in_dim3A : f32 to vector<16xf32>
    %scan3A = arith.constant 0 : i32
    %scan3A_6 = arith.constant 32 : i32
    %scan3A_7 = arith.addi %scan3A, %scan3A_6 : i32
    %scan3A_8 = arith.constant 1 : i32
    %scan3A_9:16 = scf.for %scan3A_984 = %scan3A to %scan3A_7 step %scan3A_8 iter_args(%scan3A_985 = %broadcast_in_dim3A_5, %scan3A_986 = %broadcast_in_dim3A_5, %scan3A_987 = %broadcast_in_dim3A_5, %scan3A_988 = %broadcast_in_dim3A_5, %scan3A_989 = %broadcast_in_dim3A_5, %scan3A_990 = %broadcast_in_dim3A_5, %scan3A_991 = %broadcast_in_dim3A_5, %scan3A_992 = %broadcast_in_dim3A_5, %scan3A_993 = %broadcast_in_dim3A_5, %scan3A_994 = %broadcast_in_dim3A_5, %scan3A_995 = %broadcast_in_dim3A_5, %scan3A_996 = %broadcast_in_dim3A_5, %scan3A_997 = %broadcast_in_dim3A_5, %scan3A_998 = %broadcast_in_dim3A_5, %scan3A_999 = %broadcast_in_dim3A_5, %scan3A_1000 = %broadcast_in_dim3A_5) -> (vector<16xf32>, vector<16xf32>, vector<16xf32>, vector<16xf32>, vector<16xf32>, vector<16xf32>, vector<16xf32>, vector<16xf32>, vector<16xf32>, vector<16xf32>, vector<16xf32>, vector<16xf32>, vector<16xf32>, vector<16xf32>, vector<16xf32>, vector<16xf32>)  : i32 {
      %mul3A_1001 = arith.constant 2 : i32
      %mul3A_1002 = arith.muli %mul3A_1001, %scan3A_984 : i32
      %mul3A_1003 = arith.constant 16 : i32
      %mul3A_1004 = arith.muli %mul3A_1002, %mul3A_1003 : i32
      %add3A_1005 = vector.broadcast %mul3A_1004 : i32 to vector<16xi32>
      %add3A_1006 = arith.addi %add3A_1005, %iota3A : vector<16xi32>
      %mul3A_1007 = arith.constant 8 : i32
      %mul3A_1008 = vector.broadcast %mul3A_1007 : i32 to vector<16xi32>
      %mul3A_1009 = arith.muli %add3A_1006, %mul3A_1008 : vector<16xi32>
      %add3A_1010 = arith.constant 0 : i32
      %add3A_1011 = vector.broadcast %add3A_1010 : i32 to vector<16xi32>
      %add3A_1012 = arith.addi %mul3A_1009, %add3A_1011 : vector<16xi32>
      %gather3A_1013 = tpu.vector_load_idx %arg7[%add3A_1012] : memref<8192xf32, #tpu.memory_space<vmem>>[vector<16xi32>], vector<16xf32>,
      %add3A_1014 = arith.constant 1 : i32
      %add3A_1015 = vector.broadcast %add3A_1014 : i32 to vector<16xi32>
      %add3A_1016 = arith.addi %mul3A_1009, %add3A_1015 : vector<16xi32>
      %gather3A_1017 = tpu.vector_load_idx %arg7[%add3A_1016] : memref<8192xf32, #tpu.memory_space<vmem>>[vector<16xi32>], vector<16xf32>,
      %add3A_1018 = arith.constant 2 : i32
      %add3A_1019 = vector.broadcast %add3A_1018 : i32 to vector<16xi32>
      %add3A_1020 = arith.addi %mul3A_1009, %add3A_1019 : vector<16xi32>
      %gather3A_1021 = tpu.vector_load_idx %arg7[%add3A_1020] : memref<8192xf32, #tpu.memory_space<vmem>>[vector<16xi32>], vector<16xf32>,
      %add3A_1022 = arith.constant 3 : i32
      %add3A_1023 = vector.broadcast %add3A_1022 : i32 to vector<16xi32>
      %add3A_1024 = arith.addi %mul3A_1009, %add3A_1023 : vector<16xi32>
      %gather3A_1025 = tpu.vector_load_idx %arg7[%add3A_1024] : memref<8192xf32, #tpu.memory_space<vmem>>[vector<16xi32>], vector<16xf32>,
      %add3A_1026 = arith.constant 4 : i32
      %add3A_1027 = vector.broadcast %add3A_1026 : i32 to vector<16xi32>
      %add3A_1028 = arith.addi %mul3A_1009, %add3A_1027 : vector<16xi32>
      %gather3A_1029 = tpu.vector_load_idx %arg7[%add3A_1028] : memref<8192xf32, #tpu.memory_space<vmem>>[vector<16xi32>], vector<16xf32>,
      %add3A_1030 = arith.constant 5 : i32
      %add3A_1031 = vector.broadcast %add3A_1030 : i32 to vector<16xi32>
      %add3A_1032 = arith.addi %mul3A_1009, %add3A_1031 : vector<16xi32>
      %gather3A_1033 = tpu.vector_load_idx %arg7[%add3A_1032] : memref<8192xf32, #tpu.memory_space<vmem>>[vector<16xi32>], vector<16xf32>,
      %add3A_1034 = arith.constant 6 : i32
      %add3A_1035 = vector.broadcast %add3A_1034 : i32 to vector<16xi32>
      %add3A_1036 = arith.addi %mul3A_1009, %add3A_1035 : vector<16xi32>
      %gather3A_1037 = tpu.vector_load_idx %arg7[%add3A_1036] : memref<8192xf32, #tpu.memory_space<vmem>>[vector<16xi32>], vector<16xf32>,
      %add3A_1038 = arith.constant 7 : i32
      %add3A_1039 = vector.broadcast %add3A_1038 : i32 to vector<16xi32>
      %add3A_1040 = arith.addi %mul3A_1009, %add3A_1039 : vector<16xi32>
      %gather3A_1041 = tpu.vector_load_idx %arg7[%add3A_1040] : memref<8192xf32, #tpu.memory_space<vmem>>[vector<16xi32>], vector<16xf32>,
      %broadcast_in_dim3A_1042 = arith.constant 0 : i32
      %broadcast_in_dim3A_1043 = vector.broadcast %broadcast_in_dim3A_1042 : i32 to vector<16xi32>
      %broadcast_in_dim3A_1044 = arith.constant 1 : i32
      %broadcast_in_dim3A_1045 = vector.broadcast %broadcast_in_dim3A_1044 : i32 to vector<16xi32>
      %broadcast_in_dim3A_1046 = arith.constant 2 : i32
      %broadcast_in_dim3A_1047 = vector.broadcast %broadcast_in_dim3A_1046 : i32 to vector<16xi32>
      %broadcast_in_dim3A_1048 = arith.constant 3 : i32
      %broadcast_in_dim3A_1049 = vector.broadcast %broadcast_in_dim3A_1048 : i32 to vector<16xi32>
      %broadcast_in_dim3A_1050 = arith.constant 4 : i32
      %broadcast_in_dim3A_1051 = vector.broadcast %broadcast_in_dim3A_1050 : i32 to vector<16xi32>
      %broadcast_in_dim3A_1052 = arith.constant 5 : i32
      %broadcast_in_dim3A_1053 = vector.broadcast %broadcast_in_dim3A_1052 : i32 to vector<16xi32>
      %broadcast_in_dim3A_1054 = arith.constant 6 : i32
      %broadcast_in_dim3A_1055 = vector.broadcast %broadcast_in_dim3A_1054 : i32 to vector<16xi32>
      %broadcast_in_dim3A_1056 = arith.constant 7 : i32
      %broadcast_in_dim3A_1057 = vector.broadcast %broadcast_in_dim3A_1056 : i32 to vector<16xi32>
      %gt3A = arith.cmpf ogt, %gather3A_1017, %gather3A_1013 : vector<16xf32>
      %select_n3A_1058 = arith.select %gt3A, %gather3A_1017, %gather3A_1013 : vector<16xi1>, vector<16xf32>
      %select_n3A_1059 = arith.select %gt3A, %broadcast_in_dim3A_1045, %broadcast_in_dim3A_1043 : vector<16xi1>, vector<16xi32>
      %gt3A_1060 = arith.cmpf ogt, %gather3A_1025, %gather3A_1021 : vector<16xf32>
      %select_n3A_1061 = arith.select %gt3A_1060, %gather3A_1025, %gather3A_1021 : vector<16xi1>, vector<16xf32>
      %select_n3A_1062 = arith.select %gt3A_1060, %broadcast_in_dim3A_1049, %broadcast_in_dim3A_1047 : vector<16xi1>, vector<16xi32>
      %gt3A_1063 = arith.cmpf ogt, %gather3A_1033, %gather3A_1029 : vector<16xf32>
      %select_n3A_1064 = arith.select %gt3A_1063, %gather3A_1033, %gather3A_1029 : vector<16xi1>, vector<16xf32>
      %select_n3A_1065 = arith.select %gt3A_1063, %broadcast_in_dim3A_1053, %broadcast_in_dim3A_1051 : vector<16xi1>, vector<16xi32>
      %gt3A_1066 = arith.cmpf ogt, %gather3A_1041, %gather3A_1037 : vector<16xf32>
      %select_n3A_1067 = arith.select %gt3A_1066, %gather3A_1041, %gather3A_1037 : vector<16xi1>, vector<16xf32>
      %select_n3A_1068 = arith.select %gt3A_1066, %broadcast_in_dim3A_1057, %broadcast_in_dim3A_1055 : vector<16xi1>, vector<16xi32>
      %gt3A_1069 = arith.cmpf ogt, %select_n3A_1061, %select_n3A_1058 : vector<16xf32>
      %select_n3A_1070 = arith.select %gt3A_1069, %select_n3A_1061, %select_n3A_1058 : vector<16xi1>, vector<16xf32>
      %select_n3A_1071 = arith.select %gt3A_1069, %select_n3A_1062, %select_n3A_1059 : vector<16xi1>, vector<16xi32>
      %gt3A_1072 = arith.cmpf ogt, %select_n3A_1067, %select_n3A_1064 : vector<16xf32>
      %select_n3A_1073 = arith.select %gt3A_1072, %select_n3A_1067, %select_n3A_1064 : vector<16xi1>, vector<16xf32>
      %select_n3A_1074 = arith.select %gt3A_1072, %select_n3A_1068, %select_n3A_1065 : vector<16xi1>, vector<16xi32>
      %gt3A_1075 = arith.cmpf ogt, %select_n3A_1073, %select_n3A_1070 : vector<16xf32>
      %select_n3A_1076 = arith.select %gt3A_1075, %select_n3A_1073, %select_n3A_1070 : vector<16xi1>, vector<16xf32>
      %select_n3A_1077 = arith.select %gt3A_1075, %select_n3A_1074, %select_n3A_1071 : vector<16xi1>, vector<16xi32>
      %sub3A = arith.subf %gather3A_1013, %select_n3A_1076 : vector<16xf32>
      %exp3A = math.exp %sub3A : vector<16xf32>
      %sub3A_1078 = arith.subf %gather3A_1017, %select_n3A_1076 : vector<16xf32>
      %exp3A_1079 = math.exp %sub3A_1078 : vector<16xf32>
      %sub3A_1080 = arith.subf %gather3A_1021, %select_n3A_1076 : vector<16xf32>
      %exp3A_1081 = math.exp %sub3A_1080 : vector<16xf32>
      %sub3A_1082 = arith.subf %gather3A_1025, %select_n3A_1076 : vector<16xf32>
      %exp3A_1083 = math.exp %sub3A_1082 : vector<16xf32>
      %sub3A_1084 = arith.subf %gather3A_1029, %select_n3A_1076 : vector<16xf32>
      %exp3A_1085 = math.exp %sub3A_1084 : vector<16xf32>
      %sub3A_1086 = arith.subf %gather3A_1033, %select_n3A_1076 : vector<16xf32>
      %exp3A_1087 = math.exp %sub3A_1086 : vector<16xf32>
      %sub3A_1088 = arith.subf %gather3A_1037, %select_n3A_1076 : vector<16xf32>
      %exp3A_1089 = math.exp %sub3A_1088 : vector<16xf32>
      %sub3A_1090 = arith.subf %gather3A_1041, %select_n3A_1076 : vector<16xf32>
      %exp3A_1091 = math.exp %sub3A_1090 : vector<16xf32>
      %add3A_1092 = arith.addf %exp3A, %exp3A_1079 : vector<16xf32>
      %add3A_1093 = arith.addf %exp3A_1081, %exp3A_1083 : vector<16xf32>
      %add3A_1094 = arith.addf %exp3A_1085, %exp3A_1087 : vector<16xf32>
      %add3A_1095 = arith.addf %exp3A_1089, %exp3A_1091 : vector<16xf32>
      %add3A_1096 = arith.addf %add3A_1092, %add3A_1093 : vector<16xf32>
      %add3A_1097 = arith.addf %add3A_1094, %add3A_1095 : vector<16xf32>
      %add3A_1098 = arith.addf %add3A_1096, %add3A_1097 : vector<16xf32>
      %div3A = arith.constant 1.000000e+00 : f32
      %div3A_1099 = vector.broadcast %div3A : f32 to vector<16xf32>
      %div3A_1100 = arith.divf %div3A_1099, %add3A_1098 : vector<16xf32>
      %mul3A_1101 = arith.mulf %exp3A, %div3A_1100 : vector<16xf32>
      %add3A_1102 = arith.constant 0 : i32
      %add3A_1103 = vector.broadcast %add3A_1102 : i32 to vector<16xi32>
      %add3A_1104 = arith.addi %mul3A_1009, %add3A_1103 : vector<16xi32>
      tpu.vector_store_idx %arg8[%add3A_1104], %mul3A_1101 : memref<8192xf32, #tpu.memory_space<vmem>>[vector<16xi32>], vector<16xf32>,
      %add3A_1105 = arith.addf %scan3A_985, %mul3A_1101 : vector<16xf32>
      %eq3A_1106 = arith.constant 0 : i32
      %eq3A_1107 = vector.broadcast %eq3A_1106 : i32 to vector<16xi32>
      %eq3A_1108 = arith.cmpi eq, %select_n3A_1077, %eq3A_1107 : vector<16xi32>
      %jit3A = arith.constant 1.000000e+00 : f32
      %jit3A_1109 = arith.constant 0.000000e+00 : f32
      %broadcast_in_dim3A_1110 = vector.broadcast %jit3A : f32 to vector<16xf32>
      %broadcast_in_dim3A_1111 = vector.broadcast %jit3A_1109 : f32 to vector<16xf32>
      %select_n3A_1112 = arith.select %eq3A_1108, %broadcast_in_dim3A_1110, %broadcast_in_dim3A_1111 : vector<16xi1>, vector<16xf32>
      %add3A_1113 = arith.addf %scan3A_993, %select_n3A_1112 : vector<16xf32>
      %mul3A_1114 = arith.mulf %exp3A_1079, %div3A_1100 : vector<16xf32>
      %add3A_1115 = arith.constant 1 : i32
      %add3A_1116 = vector.broadcast %add3A_1115 : i32 to vector<16xi32>
      %add3A_1117 = arith.addi %mul3A_1009, %add3A_1116 : vector<16xi32>
      tpu.vector_store_idx %arg8[%add3A_1117], %mul3A_1114 : memref<8192xf32, #tpu.memory_space<vmem>>[vector<16xi32>], vector<16xf32>,
      %add3A_1118 = arith.addf %scan3A_986, %mul3A_1114 : vector<16xf32>
      %eq3A_1119 = arith.constant 1 : i32
      %eq3A_1120 = vector.broadcast %eq3A_1119 : i32 to vector<16xi32>
      %eq3A_1121 = arith.cmpi eq, %select_n3A_1077, %eq3A_1120 : vector<16xi32>
      %jit3A_1122 = arith.constant 1.000000e+00 : f32
      %jit3A_1123 = arith.constant 0.000000e+00 : f32
      %broadcast_in_dim3A_1124 = vector.broadcast %jit3A_1122 : f32 to vector<16xf32>
      %broadcast_in_dim3A_1125 = vector.broadcast %jit3A_1123 : f32 to vector<16xf32>
      %select_n3A_1126 = arith.select %eq3A_1121, %broadcast_in_dim3A_1124, %broadcast_in_dim3A_1125 : vector<16xi1>, vector<16xf32>
      %add3A_1127 = arith.addf %scan3A_994, %select_n3A_1126 : vector<16xf32>
      %mul3A_1128 = arith.mulf %exp3A_1081, %div3A_1100 : vector<16xf32>
      %add3A_1129 = arith.constant 2 : i32
      %add3A_1130 = vector.broadcast %add3A_1129 : i32 to vector<16xi32>
      %add3A_1131 = arith.addi %mul3A_1009, %add3A_1130 : vector<16xi32>
      tpu.vector_store_idx %arg8[%add3A_1131], %mul3A_1128 : memref<8192xf32, #tpu.memory_space<vmem>>[vector<16xi32>], vector<16xf32>,
      %add3A_1132 = arith.addf %scan3A_987, %mul3A_1128 : vector<16xf32>
      %eq3A_1133 = arith.constant 2 : i32
      %eq3A_1134 = vector.broadcast %eq3A_1133 : i32 to vector<16xi32>
      %eq3A_1135 = arith.cmpi eq, %select_n3A_1077, %eq3A_1134 : vector<16xi32>
      %jit3A_1136 = arith.constant 1.000000e+00 : f32
      %jit3A_1137 = arith.constant 0.000000e+00 : f32
      %broadcast_in_dim3A_1138 = vector.broadcast %jit3A_1136 : f32 to vector<16xf32>
      %broadcast_in_dim3A_1139 = vector.broadcast %jit3A_1137 : f32 to vector<16xf32>
      %select_n3A_1140 = arith.select %eq3A_1135, %broadcast_in_dim3A_1138, %broadcast_in_dim3A_1139 : vector<16xi1>, vector<16xf32>
      %add3A_1141 = arith.addf %scan3A_995, %select_n3A_1140 : vector<16xf32>
      %mul3A_1142 = arith.mulf %exp3A_1083, %div3A_1100 : vector<16xf32>
      %add3A_1143 = arith.constant 3 : i32
      %add3A_1144 = vector.broadcast %add3A_1143 : i32 to vector<16xi32>
      %add3A_1145 = arith.addi %mul3A_1009, %add3A_1144 : vector<16xi32>
      tpu.vector_store_idx %arg8[%add3A_1145], %mul3A_1142 : memref<8192xf32, #tpu.memory_space<vmem>>[vector<16xi32>], vector<16xf32>,
      %add3A_1146 = arith.addf %scan3A_988, %mul3A_1142 : vector<16xf32>
      %eq3A_1147 = arith.constant 3 : i32
      %eq3A_1148 = vector.broadcast %eq3A_1147 : i32 to vector<16xi32>
      %eq3A_1149 = arith.cmpi eq, %select_n3A_1077, %eq3A_1148 : vector<16xi32>
      %jit3A_1150 = arith.constant 1.000000e+00 : f32
      %jit3A_1151 = arith.constant 0.000000e+00 : f32
      %broadcast_in_dim3A_1152 = vector.broadcast %jit3A_1150 : f32 to vector<16xf32>
      %broadcast_in_dim3A_1153 = vector.broadcast %jit3A_1151 : f32 to vector<16xf32>
      %select_n3A_1154 = arith.select %eq3A_1149, %broadcast_in_dim3A_1152, %broadcast_in_dim3A_1153 : vector<16xi1>, vector<16xf32>
      %add3A_1155 = arith.addf %scan3A_996, %select_n3A_1154 : vector<16xf32>
      %mul3A_1156 = arith.mulf %exp3A_1085, %div3A_1100 : vector<16xf32>
      %add3A_1157 = arith.constant 4 : i32
      %add3A_1158 = vector.broadcast %add3A_1157 : i32 to vector<16xi32>
      %add3A_1159 = arith.addi %mul3A_1009, %add3A_1158 : vector<16xi32>
      tpu.vector_store_idx %arg8[%add3A_1159], %mul3A_1156 : memref<8192xf32, #tpu.memory_space<vmem>>[vector<16xi32>], vector<16xf32>,
      %add3A_1160 = arith.addf %scan3A_989, %mul3A_1156 : vector<16xf32>
      %eq3A_1161 = arith.constant 4 : i32
      %eq3A_1162 = vector.broadcast %eq3A_1161 : i32 to vector<16xi32>
      %eq3A_1163 = arith.cmpi eq, %select_n3A_1077, %eq3A_1162 : vector<16xi32>
      %jit3A_1164 = arith.constant 1.000000e+00 : f32
      %jit3A_1165 = arith.constant 0.000000e+00 : f32
      %broadcast_in_dim3A_1166 = vector.broadcast %jit3A_1164 : f32 to vector<16xf32>
      %broadcast_in_dim3A_1167 = vector.broadcast %jit3A_1165 : f32 to vector<16xf32>
      %select_n3A_1168 = arith.select %eq3A_1163, %broadcast_in_dim3A_1166, %broadcast_in_dim3A_1167 : vector<16xi1>, vector<16xf32>
      %add3A_1169 = arith.addf %scan3A_997, %select_n3A_1168 : vector<16xf32>
      %mul3A_1170 = arith.mulf %exp3A_1087, %div3A_1100 : vector<16xf32>
      %add3A_1171 = arith.constant 5 : i32
      %add3A_1172 = vector.broadcast %add3A_1171 : i32 to vector<16xi32>
      %add3A_1173 = arith.addi %mul3A_1009, %add3A_1172 : vector<16xi32>
      tpu.vector_store_idx %arg8[%add3A_1173], %mul3A_1170 : memref<8192xf32, #tpu.memory_space<vmem>>[vector<16xi32>], vector<16xf32>,
      %add3A_1174 = arith.addf %scan3A_990, %mul3A_1170 : vector<16xf32>
      %eq3A_1175 = arith.constant 5 : i32
      %eq3A_1176 = vector.broadcast %eq3A_1175 : i32 to vector<16xi32>
      %eq3A_1177 = arith.cmpi eq, %select_n3A_1077, %eq3A_1176 : vector<16xi32>
      %jit3A_1178 = arith.constant 1.000000e+00 : f32
      %jit3A_1179 = arith.constant 0.000000e+00 : f32
      %broadcast_in_dim3A_1180 = vector.broadcast %jit3A_1178 : f32 to vector<16xf32>
      %broadcast_in_dim3A_1181 = vector.broadcast %jit3A_1179 : f32 to vector<16xf32>
      %select_n3A_1182 = arith.select %eq3A_1177, %broadcast_in_dim3A_1180, %broadcast_in_dim3A_1181 : vector<16xi1>, vector<16xf32>
      %add3A_1183 = arith.addf %scan3A_998, %select_n3A_1182 : vector<16xf32>
      %mul3A_1184 = arith.mulf %exp3A_1089, %div3A_1100 : vector<16xf32>
      %add3A_1185 = arith.constant 6 : i32
      %add3A_1186 = vector.broadcast %add3A_1185 : i32 to vector<16xi32>
      %add3A_1187 = arith.addi %mul3A_1009, %add3A_1186 : vector<16xi32>
      tpu.vector_store_idx %arg8[%add3A_1187], %mul3A_1184 : memref<8192xf32, #tpu.memory_space<vmem>>[vector<16xi32>], vector<16xf32>,
      %add3A_1188 = arith.addf %scan3A_991, %mul3A_1184 : vector<16xf32>
      %eq3A_1189 = arith.constant 6 : i32
      %eq3A_1190 = vector.broadcast %eq3A_1189 : i32 to vector<16xi32>
      %eq3A_1191 = arith.cmpi eq, %select_n3A_1077, %eq3A_1190 : vector<16xi32>
      %jit3A_1192 = arith.constant 1.000000e+00 : f32
      %jit3A_1193 = arith.constant 0.000000e+00 : f32
      %broadcast_in_dim3A_1194 = vector.broadcast %jit3A_1192 : f32 to vector<16xf32>
      %broadcast_in_dim3A_1195 = vector.broadcast %jit3A_1193 : f32 to vector<16xf32>
      %select_n3A_1196 = arith.select %eq3A_1191, %broadcast_in_dim3A_1194, %broadcast_in_dim3A_1195 : vector<16xi1>, vector<16xf32>
      %add3A_1197 = arith.addf %scan3A_999, %select_n3A_1196 : vector<16xf32>
      %mul3A_1198 = arith.mulf %exp3A_1091, %div3A_1100 : vector<16xf32>
      %add3A_1199 = arith.constant 7 : i32
      %add3A_1200 = vector.broadcast %add3A_1199 : i32 to vector<16xi32>
      %add3A_1201 = arith.addi %mul3A_1009, %add3A_1200 : vector<16xi32>
      tpu.vector_store_idx %arg8[%add3A_1201], %mul3A_1198 : memref<8192xf32, #tpu.memory_space<vmem>>[vector<16xi32>], vector<16xf32>,
      %add3A_1202 = arith.addf %scan3A_992, %mul3A_1198 : vector<16xf32>
      %eq3A_1203 = arith.constant 7 : i32
      %eq3A_1204 = vector.broadcast %eq3A_1203 : i32 to vector<16xi32>
      %eq3A_1205 = arith.cmpi eq, %select_n3A_1077, %eq3A_1204 : vector<16xi32>
      %jit3A_1206 = arith.constant 1.000000e+00 : f32
      %jit3A_1207 = arith.constant 0.000000e+00 : f32
      %broadcast_in_dim3A_1208 = vector.broadcast %jit3A_1206 : f32 to vector<16xf32>
      %broadcast_in_dim3A_1209 = vector.broadcast %jit3A_1207 : f32 to vector<16xf32>
      %select_n3A_1210 = arith.select %eq3A_1205, %broadcast_in_dim3A_1208, %broadcast_in_dim3A_1209 : vector<16xi1>, vector<16xf32>
      %add3A_1211 = arith.addf %scan3A_1000, %select_n3A_1210 : vector<16xf32>
      %mul3A_1212 = arith.constant 16 : i32
      %mul3A_1213 = arith.muli %mul3A_1002, %mul3A_1212 : i32
      %swap3A_1214 = arith.index_cast %mul3A_1213 : i32 to index
      %swap3A_1215 = tpu.vector_load %arg9[%swap3A_1214] {strides = array<i32>} : memref<1024xi32, #tpu.memory_space<vmem>>, vector<16xi32>,
      tpu.vector_store %arg9[%swap3A_1214], %select_n3A_1077 {strides = array<i32>} : memref<1024xi32, #tpu.memory_space<vmem>>, vector<16xi32>,
      %mul3A_1216 = arith.constant 16 : i32
      %mul3A_1217 = arith.muli %mul3A_1002, %mul3A_1216 : i32
      %swap3A_1218 = arith.index_cast %mul3A_1217 : i32 to index
      %swap3A_1219 = tpu.vector_load %arg10[%swap3A_1218] {strides = array<i32>} : memref<1024xf32, #tpu.memory_space<vmem>>, vector<16xf32>,
      tpu.vector_store %arg10[%swap3A_1218], %div3A_1100 {strides = array<i32>} : memref<1024xf32, #tpu.memory_space<vmem>>, vector<16xf32>,
      %mul3A_1220 = arith.constant 2 : i32
      %mul3A_1221 = arith.muli %mul3A_1220, %scan3A_984 : i32
      %add3A_1222 = arith.constant 1 : i32
      %add3A_1223 = arith.addi %mul3A_1221, %add3A_1222 : i32
      %mul3A_1224 = arith.constant 16 : i32
      %mul3A_1225 = arith.muli %add3A_1223, %mul3A_1224 : i32
      %add3A_1226 = vector.broadcast %mul3A_1225 : i32 to vector<16xi32>
      %add3A_1227 = arith.addi %add3A_1226, %iota3A : vector<16xi32>
      %mul3A_1228 = arith.constant 8 : i32
      %mul3A_1229 = vector.broadcast %mul3A_1228 : i32 to vector<16xi32>
      %mul3A_1230 = arith.muli %add3A_1227, %mul3A_1229 : vector<16xi32>
      %add3A_1231 = arith.constant 0 : i32
      %add3A_1232 = vector.broadcast %add3A_1231 : i32 to vector<16xi32>
      %add3A_1233 = arith.addi %mul3A_1230, %add3A_1232 : vector<16xi32>
      %gather3A_1234 = tpu.vector_load_idx %arg7[%add3A_1233] : memref<8192xf32, #tpu.memory_space<vmem>>[vector<16xi32>], vector<16xf32>,
      %add3A_1235 = arith.constant 1 : i32
      %add3A_1236 = vector.broadcast %add3A_1235 : i32 to vector<16xi32>
      %add3A_1237 = arith.addi %mul3A_1230, %add3A_1236 : vector<16xi32>
      %gather3A_1238 = tpu.vector_load_idx %arg7[%add3A_1237] : memref<8192xf32, #tpu.memory_space<vmem>>[vector<16xi32>], vector<16xf32>,
      %add3A_1239 = arith.constant 2 : i32
      %add3A_1240 = vector.broadcast %add3A_1239 : i32 to vector<16xi32>
      %add3A_1241 = arith.addi %mul3A_1230, %add3A_1240 : vector<16xi32>
      %gather3A_1242 = tpu.vector_load_idx %arg7[%add3A_1241] : memref<8192xf32, #tpu.memory_space<vmem>>[vector<16xi32>], vector<16xf32>,
      %add3A_1243 = arith.constant 3 : i32
      %add3A_1244 = vector.broadcast %add3A_1243 : i32 to vector<16xi32>
      %add3A_1245 = arith.addi %mul3A_1230, %add3A_1244 : vector<16xi32>
      %gather3A_1246 = tpu.vector_load_idx %arg7[%add3A_1245] : memref<8192xf32, #tpu.memory_space<vmem>>[vector<16xi32>], vector<16xf32>,
      %add3A_1247 = arith.constant 4 : i32
      %add3A_1248 = vector.broadcast %add3A_1247 : i32 to vector<16xi32>
      %add3A_1249 = arith.addi %mul3A_1230, %add3A_1248 : vector<16xi32>
      %gather3A_1250 = tpu.vector_load_idx %arg7[%add3A_1249] : memref<8192xf32, #tpu.memory_space<vmem>>[vector<16xi32>], vector<16xf32>,
      %add3A_1251 = arith.constant 5 : i32
      %add3A_1252 = vector.broadcast %add3A_1251 : i32 to vector<16xi32>
      %add3A_1253 = arith.addi %mul3A_1230, %add3A_1252 : vector<16xi32>
      %gather3A_1254 = tpu.vector_load_idx %arg7[%add3A_1253] : memref<8192xf32, #tpu.memory_space<vmem>>[vector<16xi32>], vector<16xf32>,
      %add3A_1255 = arith.constant 6 : i32
      %add3A_1256 = vector.broadcast %add3A_1255 : i32 to vector<16xi32>
      %add3A_1257 = arith.addi %mul3A_1230, %add3A_1256 : vector<16xi32>
      %gather3A_1258 = tpu.vector_load_idx %arg7[%add3A_1257] : memref<8192xf32, #tpu.memory_space<vmem>>[vector<16xi32>], vector<16xf32>,
      %add3A_1259 = arith.constant 7 : i32
      %add3A_1260 = vector.broadcast %add3A_1259 : i32 to vector<16xi32>
      %add3A_1261 = arith.addi %mul3A_1230, %add3A_1260 : vector<16xi32>
      %gather3A_1262 = tpu.vector_load_idx %arg7[%add3A_1261] : memref<8192xf32, #tpu.memory_space<vmem>>[vector<16xi32>], vector<16xf32>,
      %broadcast_in_dim3A_1263 = arith.constant 0 : i32
      %broadcast_in_dim3A_1264 = vector.broadcast %broadcast_in_dim3A_1263 : i32 to vector<16xi32>
      %broadcast_in_dim3A_1265 = arith.constant 1 : i32
      %broadcast_in_dim3A_1266 = vector.broadcast %broadcast_in_dim3A_1265 : i32 to vector<16xi32>
      %broadcast_in_dim3A_1267 = arith.constant 2 : i32
      %broadcast_in_dim3A_1268 = vector.broadcast %broadcast_in_dim3A_1267 : i32 to vector<16xi32>
      %broadcast_in_dim3A_1269 = arith.constant 3 : i32
      %broadcast_in_dim3A_1270 = vector.broadcast %broadcast_in_dim3A_1269 : i32 to vector<16xi32>
      %broadcast_in_dim3A_1271 = arith.constant 4 : i32
      %broadcast_in_dim3A_1272 = vector.broadcast %broadcast_in_dim3A_1271 : i32 to vector<16xi32>
      %broadcast_in_dim3A_1273 = arith.constant 5 : i32
      %broadcast_in_dim3A_1274 = vector.broadcast %broadcast_in_dim3A_1273 : i32 to vector<16xi32>
      %broadcast_in_dim3A_1275 = arith.constant 6 : i32
      %broadcast_in_dim3A_1276 = vector.broadcast %broadcast_in_dim3A_1275 : i32 to vector<16xi32>
      %broadcast_in_dim3A_1277 = arith.constant 7 : i32
      %broadcast_in_dim3A_1278 = vector.broadcast %broadcast_in_dim3A_1277 : i32 to vector<16xi32>
      %gt3A_1279 = arith.cmpf ogt, %gather3A_1238, %gather3A_1234 : vector<16xf32>
      %select_n3A_1280 = arith.select %gt3A_1279, %gather3A_1238, %gather3A_1234 : vector<16xi1>, vector<16xf32>
      %select_n3A_1281 = arith.select %gt3A_1279, %broadcast_in_dim3A_1266, %broadcast_in_dim3A_1264 : vector<16xi1>, vector<16xi32>
      %gt3A_1282 = arith.cmpf ogt, %gather3A_1246, %gather3A_1242 : vector<16xf32>
      %select_n3A_1283 = arith.select %gt3A_1282, %gather3A_1246, %gather3A_1242 : vector<16xi1>, vector<16xf32>
      %select_n3A_1284 = arith.select %gt3A_1282, %broadcast_in_dim3A_1270, %broadcast_in_dim3A_1268 : vector<16xi1>, vector<16xi32>
      %gt3A_1285 = arith.cmpf ogt, %gather3A_1254, %gather3A_1250 : vector<16xf32>
      %select_n3A_1286 = arith.select %gt3A_1285, %gather3A_1254, %gather3A_1250 : vector<16xi1>, vector<16xf32>
      %select_n3A_1287 = arith.select %gt3A_1285, %broadcast_in_dim3A_1274, %broadcast_in_dim3A_1272 : vector<16xi1>, vector<16xi32>
      %gt3A_1288 = arith.cmpf ogt, %gather3A_1262, %gather3A_1258 : vector<16xf32>
      %select_n3A_1289 = arith.select %gt3A_1288, %gather3A_1262, %gather3A_1258 : vector<16xi1>, vector<16xf32>
      %select_n3A_1290 = arith.select %gt3A_1288, %broadcast_in_dim3A_1278, %broadcast_in_dim3A_1276 : vector<16xi1>, vector<16xi32>
      %gt3A_1291 = arith.cmpf ogt, %select_n3A_1283, %select_n3A_1280 : vector<16xf32>
      %select_n3A_1292 = arith.select %gt3A_1291, %select_n3A_1283, %select_n3A_1280 : vector<16xi1>, vector<16xf32>
      %select_n3A_1293 = arith.select %gt3A_1291, %select_n3A_1284, %select_n3A_1281 : vector<16xi1>, vector<16xi32>
      %gt3A_1294 = arith.cmpf ogt, %select_n3A_1289, %select_n3A_1286 : vector<16xf32>
      %select_n3A_1295 = arith.select %gt3A_1294, %select_n3A_1289, %select_n3A_1286 : vector<16xi1>, vector<16xf32>
      %select_n3A_1296 = arith.select %gt3A_1294, %select_n3A_1290, %select_n3A_1287 : vector<16xi1>, vector<16xi32>
      %gt3A_1297 = arith.cmpf ogt, %select_n3A_1295, %select_n3A_1292 : vector<16xf32>
      %select_n3A_1298 = arith.select %gt3A_1297, %select_n3A_1295, %select_n3A_1292 : vector<16xi1>, vector<16xf32>
      %select_n3A_1299 = arith.select %gt3A_1297, %select_n3A_1296, %select_n3A_1293 : vector<16xi1>, vector<16xi32>
      %sub3A_1300 = arith.subf %gather3A_1234, %select_n3A_1298 : vector<16xf32>
      %exp3A_1301 = math.exp %sub3A_1300 : vector<16xf32>
      %sub3A_1302 = arith.subf %gather3A_1238, %select_n3A_1298 : vector<16xf32>
      %exp3A_1303 = math.exp %sub3A_1302 : vector<16xf32>
      %sub3A_1304 = arith.subf %gather3A_1242, %select_n3A_1298 : vector<16xf32>
      %exp3A_1305 = math.exp %sub3A_1304 : vector<16xf32>
      %sub3A_1306 = arith.subf %gather3A_1246, %select_n3A_1298 : vector<16xf32>
      %exp3A_1307 = math.exp %sub3A_1306 : vector<16xf32>
      %sub3A_1308 = arith.subf %gather3A_1250, %select_n3A_1298 : vector<16xf32>
      %exp3A_1309 = math.exp %sub3A_1308 : vector<16xf32>
      %sub3A_1310 = arith.subf %gather3A_1254, %select_n3A_1298 : vector<16xf32>
      %exp3A_1311 = math.exp %sub3A_1310 : vector<16xf32>
      %sub3A_1312 = arith.subf %gather3A_1258, %select_n3A_1298 : vector<16xf32>
      %exp3A_1313 = math.exp %sub3A_1312 : vector<16xf32>
      %sub3A_1314 = arith.subf %gather3A_1262, %select_n3A_1298 : vector<16xf32>
      %exp3A_1315 = math.exp %sub3A_1314 : vector<16xf32>
      %add3A_1316 = arith.addf %exp3A_1301, %exp3A_1303 : vector<16xf32>
      %add3A_1317 = arith.addf %exp3A_1305, %exp3A_1307 : vector<16xf32>
      %add3A_1318 = arith.addf %exp3A_1309, %exp3A_1311 : vector<16xf32>
      %add3A_1319 = arith.addf %exp3A_1313, %exp3A_1315 : vector<16xf32>
      %add3A_1320 = arith.addf %add3A_1316, %add3A_1317 : vector<16xf32>
      %add3A_1321 = arith.addf %add3A_1318, %add3A_1319 : vector<16xf32>
      %add3A_1322 = arith.addf %add3A_1320, %add3A_1321 : vector<16xf32>
      %div3A_1323 = arith.constant 1.000000e+00 : f32
      %div3A_1324 = vector.broadcast %div3A_1323 : f32 to vector<16xf32>
      %div3A_1325 = arith.divf %div3A_1324, %add3A_1322 : vector<16xf32>
      %mul3A_1326 = arith.mulf %exp3A_1301, %div3A_1325 : vector<16xf32>
      %add3A_1327 = arith.constant 0 : i32
      %add3A_1328 = vector.broadcast %add3A_1327 : i32 to vector<16xi32>
      %add3A_1329 = arith.addi %mul3A_1230, %add3A_1328 : vector<16xi32>
      tpu.vector_store_idx %arg8[%add3A_1329], %mul3A_1326 : memref<8192xf32, #tpu.memory_space<vmem>>[vector<16xi32>], vector<16xf32>,
      %add3A_1330 = arith.addf %add3A_1105, %mul3A_1326 : vector<16xf32>
      %eq3A_1331 = arith.constant 0 : i32
      %eq3A_1332 = vector.broadcast %eq3A_1331 : i32 to vector<16xi32>
      %eq3A_1333 = arith.cmpi eq, %select_n3A_1299, %eq3A_1332 : vector<16xi32>
      %jit3A_1334 = arith.constant 1.000000e+00 : f32
      %jit3A_1335 = arith.constant 0.000000e+00 : f32
      %broadcast_in_dim3A_1336 = vector.broadcast %jit3A_1334 : f32 to vector<16xf32>
      %broadcast_in_dim3A_1337 = vector.broadcast %jit3A_1335 : f32 to vector<16xf32>
      %select_n3A_1338 = arith.select %eq3A_1333, %broadcast_in_dim3A_1336, %broadcast_in_dim3A_1337 : vector<16xi1>, vector<16xf32>
      %add3A_1339 = arith.addf %add3A_1113, %select_n3A_1338 : vector<16xf32>
      %mul3A_1340 = arith.mulf %exp3A_1303, %div3A_1325 : vector<16xf32>
      %add3A_1341 = arith.constant 1 : i32
      %add3A_1342 = vector.broadcast %add3A_1341 : i32 to vector<16xi32>
      %add3A_1343 = arith.addi %mul3A_1230, %add3A_1342 : vector<16xi32>
      tpu.vector_store_idx %arg8[%add3A_1343], %mul3A_1340 : memref<8192xf32, #tpu.memory_space<vmem>>[vector<16xi32>], vector<16xf32>,
      %add3A_1344 = arith.addf %add3A_1118, %mul3A_1340 : vector<16xf32>
      %eq3A_1345 = arith.constant 1 : i32
      %eq3A_1346 = vector.broadcast %eq3A_1345 : i32 to vector<16xi32>
      %eq3A_1347 = arith.cmpi eq, %select_n3A_1299, %eq3A_1346 : vector<16xi32>
      %jit3A_1348 = arith.constant 1.000000e+00 : f32
      %jit3A_1349 = arith.constant 0.000000e+00 : f32
      %broadcast_in_dim3A_1350 = vector.broadcast %jit3A_1348 : f32 to vector<16xf32>
      %broadcast_in_dim3A_1351 = vector.broadcast %jit3A_1349 : f32 to vector<16xf32>
      %select_n3A_1352 = arith.select %eq3A_1347, %broadcast_in_dim3A_1350, %broadcast_in_dim3A_1351 : vector<16xi1>, vector<16xf32>
      %add3A_1353 = arith.addf %add3A_1127, %select_n3A_1352 : vector<16xf32>
      %mul3A_1354 = arith.mulf %exp3A_1305, %div3A_1325 : vector<16xf32>
      %add3A_1355 = arith.constant 2 : i32
      %add3A_1356 = vector.broadcast %add3A_1355 : i32 to vector<16xi32>
      %add3A_1357 = arith.addi %mul3A_1230, %add3A_1356 : vector<16xi32>
      tpu.vector_store_idx %arg8[%add3A_1357], %mul3A_1354 : memref<8192xf32, #tpu.memory_space<vmem>>[vector<16xi32>], vector<16xf32>,
      %add3A_1358 = arith.addf %add3A_1132, %mul3A_1354 : vector<16xf32>
      %eq3A_1359 = arith.constant 2 : i32
      %eq3A_1360 = vector.broadcast %eq3A_1359 : i32 to vector<16xi32>
      %eq3A_1361 = arith.cmpi eq, %select_n3A_1299, %eq3A_1360 : vector<16xi32>
      %jit3A_1362 = arith.constant 1.000000e+00 : f32
      %jit3A_1363 = arith.constant 0.000000e+00 : f32
      %broadcast_in_dim3A_1364 = vector.broadcast %jit3A_1362 : f32 to vector<16xf32>
      %broadcast_in_dim3A_1365 = vector.broadcast %jit3A_1363 : f32 to vector<16xf32>
      %select_n3A_1366 = arith.select %eq3A_1361, %broadcast_in_dim3A_1364, %broadcast_in_dim3A_1365 : vector<16xi1>, vector<16xf32>
      %add3A_1367 = arith.addf %add3A_1141, %select_n3A_1366 : vector<16xf32>
      %mul3A_1368 = arith.mulf %exp3A_1307, %div3A_1325 : vector<16xf32>
      %add3A_1369 = arith.constant 3 : i32
      %add3A_1370 = vector.broadcast %add3A_1369 : i32 to vector<16xi32>
      %add3A_1371 = arith.addi %mul3A_1230, %add3A_1370 : vector<16xi32>
      tpu.vector_store_idx %arg8[%add3A_1371], %mul3A_1368 : memref<8192xf32, #tpu.memory_space<vmem>>[vector<16xi32>], vector<16xf32>,
      %add3A_1372 = arith.addf %add3A_1146, %mul3A_1368 : vector<16xf32>
      %eq3A_1373 = arith.constant 3 : i32
      %eq3A_1374 = vector.broadcast %eq3A_1373 : i32 to vector<16xi32>
      %eq3A_1375 = arith.cmpi eq, %select_n3A_1299, %eq3A_1374 : vector<16xi32>
      %jit3A_1376 = arith.constant 1.000000e+00 : f32
      %jit3A_1377 = arith.constant 0.000000e+00 : f32
      %broadcast_in_dim3A_1378 = vector.broadcast %jit3A_1376 : f32 to vector<16xf32>
      %broadcast_in_dim3A_1379 = vector.broadcast %jit3A_1377 : f32 to vector<16xf32>
      %select_n3A_1380 = arith.select %eq3A_1375, %broadcast_in_dim3A_1378, %broadcast_in_dim3A_1379 : vector<16xi1>, vector<16xf32>
      %add3A_1381 = arith.addf %add3A_1155, %select_n3A_1380 : vector<16xf32>
      %mul3A_1382 = arith.mulf %exp3A_1309, %div3A_1325 : vector<16xf32>
      %add3A_1383 = arith.constant 4 : i32
      %add3A_1384 = vector.broadcast %add3A_1383 : i32 to vector<16xi32>
      %add3A_1385 = arith.addi %mul3A_1230, %add3A_1384 : vector<16xi32>
      tpu.vector_store_idx %arg8[%add3A_1385], %mul3A_1382 : memref<8192xf32, #tpu.memory_space<vmem>>[vector<16xi32>], vector<16xf32>,
      %add3A_1386 = arith.addf %add3A_1160, %mul3A_1382 : vector<16xf32>
      %eq3A_1387 = arith.constant 4 : i32
      %eq3A_1388 = vector.broadcast %eq3A_1387 : i32 to vector<16xi32>
      %eq3A_1389 = arith.cmpi eq, %select_n3A_1299, %eq3A_1388 : vector<16xi32>
      %jit3A_1390 = arith.constant 1.000000e+00 : f32
      %jit3A_1391 = arith.constant 0.000000e+00 : f32
      %broadcast_in_dim3A_1392 = vector.broadcast %jit3A_1390 : f32 to vector<16xf32>
      %broadcast_in_dim3A_1393 = vector.broadcast %jit3A_1391 : f32 to vector<16xf32>
      %select_n3A_1394 = arith.select %eq3A_1389, %broadcast_in_dim3A_1392, %broadcast_in_dim3A_1393 : vector<16xi1>, vector<16xf32>
      %add3A_1395 = arith.addf %add3A_1169, %select_n3A_1394 : vector<16xf32>
      %mul3A_1396 = arith.mulf %exp3A_1311, %div3A_1325 : vector<16xf32>
      %add3A_1397 = arith.constant 5 : i32
      %add3A_1398 = vector.broadcast %add3A_1397 : i32 to vector<16xi32>
      %add3A_1399 = arith.addi %mul3A_1230, %add3A_1398 : vector<16xi32>
      tpu.vector_store_idx %arg8[%add3A_1399], %mul3A_1396 : memref<8192xf32, #tpu.memory_space<vmem>>[vector<16xi32>], vector<16xf32>,
      %add3A_1400 = arith.addf %add3A_1174, %mul3A_1396 : vector<16xf32>
      %eq3A_1401 = arith.constant 5 : i32
      %eq3A_1402 = vector.broadcast %eq3A_1401 : i32 to vector<16xi32>
      %eq3A_1403 = arith.cmpi eq, %select_n3A_1299, %eq3A_1402 : vector<16xi32>
      %jit3A_1404 = arith.constant 1.000000e+00 : f32
      %jit3A_1405 = arith.constant 0.000000e+00 : f32
      %broadcast_in_dim3A_1406 = vector.broadcast %jit3A_1404 : f32 to vector<16xf32>
      %broadcast_in_dim3A_1407 = vector.broadcast %jit3A_1405 : f32 to vector<16xf32>
      %select_n3A_1408 = arith.select %eq3A_1403, %broadcast_in_dim3A_1406, %broadcast_in_dim3A_1407 : vector<16xi1>, vector<16xf32>
      %add3A_1409 = arith.addf %add3A_1183, %select_n3A_1408 : vector<16xf32>
      %mul3A_1410 = arith.mulf %exp3A_1313, %div3A_1325 : vector<16xf32>
      %add3A_1411 = arith.constant 6 : i32
      %add3A_1412 = vector.broadcast %add3A_1411 : i32 to vector<16xi32>
      %add3A_1413 = arith.addi %mul3A_1230, %add3A_1412 : vector<16xi32>
      tpu.vector_store_idx %arg8[%add3A_1413], %mul3A_1410 : memref<8192xf32, #tpu.memory_space<vmem>>[vector<16xi32>], vector<16xf32>,
      %add3A_1414 = arith.addf %add3A_1188, %mul3A_1410 : vector<16xf32>
      %eq3A_1415 = arith.constant 6 : i32
      %eq3A_1416 = vector.broadcast %eq3A_1415 : i32 to vector<16xi32>
      %eq3A_1417 = arith.cmpi eq, %select_n3A_1299, %eq3A_1416 : vector<16xi32>
      %jit3A_1418 = arith.constant 1.000000e+00 : f32
      %jit3A_1419 = arith.constant 0.000000e+00 : f32
      %broadcast_in_dim3A_1420 = vector.broadcast %jit3A_1418 : f32 to vector<16xf32>
      %broadcast_in_dim3A_1421 = vector.broadcast %jit3A_1419 : f32 to vector<16xf32>
      %select_n3A_1422 = arith.select %eq3A_1417, %broadcast_in_dim3A_1420, %broadcast_in_dim3A_1421 : vector<16xi1>, vector<16xf32>
      %add3A_1423 = arith.addf %add3A_1197, %select_n3A_1422 : vector<16xf32>
      %mul3A_1424 = arith.mulf %exp3A_1315, %div3A_1325 : vector<16xf32>
      %add3A_1425 = arith.constant 7 : i32
      %add3A_1426 = vector.broadcast %add3A_1425 : i32 to vector<16xi32>
      %add3A_1427 = arith.addi %mul3A_1230, %add3A_1426 : vector<16xi32>
      tpu.vector_store_idx %arg8[%add3A_1427], %mul3A_1424 : memref<8192xf32, #tpu.memory_space<vmem>>[vector<16xi32>], vector<16xf32>,
      %add3A_1428 = arith.addf %add3A_1202, %mul3A_1424 : vector<16xf32>
      %eq3A_1429 = arith.constant 7 : i32
      %eq3A_1430 = vector.broadcast %eq3A_1429 : i32 to vector<16xi32>
      %eq3A_1431 = arith.cmpi eq, %select_n3A_1299, %eq3A_1430 : vector<16xi32>
      %jit3A_1432 = arith.constant 1.000000e+00 : f32
      %jit3A_1433 = arith.constant 0.000000e+00 : f32
      %broadcast_in_dim3A_1434 = vector.broadcast %jit3A_1432 : f32 to vector<16xf32>
      %broadcast_in_dim3A_1435 = vector.broadcast %jit3A_1433 : f32 to vector<16xf32>
      %select_n3A_1436 = arith.select %eq3A_1431, %broadcast_in_dim3A_1434, %broadcast_in_dim3A_1435 : vector<16xi1>, vector<16xf32>
      %add3A_1437 = arith.addf %add3A_1211, %select_n3A_1436 : vector<16xf32>
      %mul3A_1438 = arith.constant 16 : i32
      %mul3A_1439 = arith.muli %add3A_1223, %mul3A_1438 : i32
      %swap3A_1440 = arith.index_cast %mul3A_1439 : i32 to index
      %swap3A_1441 = tpu.vector_load %arg9[%swap3A_1440] {strides = array<i32>} : memref<1024xi32, #tpu.memory_space<vmem>>, vector<16xi32>,
      tpu.vector_store %arg9[%swap3A_1440], %select_n3A_1299 {strides = array<i32>} : memref<1024xi32, #tpu.memory_space<vmem>>, vector<16xi32>,
      %mul3A_1442 = arith.constant 16 : i32
      %mul3A_1443 = arith.muli %add3A_1223, %mul3A_1442 : i32
      %swap3A_1444 = arith.index_cast %mul3A_1443 : i32 to index
      %swap3A_1445 = tpu.vector_load %arg10[%swap3A_1444] {strides = array<i32>} : memref<1024xf32, #tpu.memory_space<vmem>>, vector<16xf32>,
      tpu.vector_store %arg10[%swap3A_1444], %div3A_1325 {strides = array<i32>} : memref<1024xf32, #tpu.memory_space<vmem>>, vector<16xf32>,
      scf.yield %add3A_1330, %add3A_1344, %add3A_1358, %add3A_1372, %add3A_1386, %add3A_1400, %add3A_1414, %add3A_1428, %add3A_1339, %add3A_1353, %add3A_1367, %add3A_1381, %add3A_1395, %add3A_1409, %add3A_1423, %add3A_1437 : vector<16xf32>, vector<16xf32>, vector<16xf32>, vector<16xf32>, vector<16xf32>, vector<16xf32>, vector<16xf32>, vector<16xf32>, vector<16xf32>, vector<16xf32>, vector<16xf32>, vector<16xf32>, vector<16xf32>, vector<16xf32>, vector<16xf32>, vector<16xf32>
    }
    %scan3A_10 = arith.constant 32 : i32
    %mul3A_11 = arith.constant 8 : i32
    %mul3A_12 = arith.muli %mul3A_2, %mul3A_11 : i32
    %dma_start3A = tpu.memref_slice %arg3[%mul3A_12] : memref<262144xf32, #tpu.memory_space<hbm>> -> memref<8192xf32, #tpu.memory_space<hbm>>
    %dma_start3A_13 = tpu.memref_slice %arg3[%mul3A_12] : memref<262144xf32, #tpu.memory_space<hbm>> -> memref<8192xf32, #tpu.memory_space<hbm>>
    tpu.enqueue_dma source(%arg8 : memref<8192xf32, #tpu.memory_space<vmem>>) target(%dma_start3A_13 : memref<8192xf32, #tpu.memory_space<hbm>>) target_semaphore(%arg14 : memref<!tpu.dma_semaphore, #tpu.memory_space<semaphore_mem>>)
    %dma_start3A_14 = tpu.memref_slice %arg4[%mul3A_2] : memref<32768xi32, #tpu.memory_space<hbm>> -> memref<1024xi32, #tpu.memory_space<hbm>>
    %dma_start3A_15 = tpu.memref_slice %arg4[%mul3A_2] : memref<32768xi32, #tpu.memory_space<hbm>> -> memref<1024xi32, #tpu.memory_space<hbm>>
    tpu.enqueue_dma source(%arg9 : memref<1024xi32, #tpu.memory_space<vmem>>) target(%dma_start3A_15 : memref<1024xi32, #tpu.memory_space<hbm>>) target_semaphore(%arg15 : memref<!tpu.dma_semaphore, #tpu.memory_space<semaphore_mem>>)
    %dma_start3A_16 = tpu.memref_slice %arg5[%mul3A_2] : memref<32768xf32, #tpu.memory_space<hbm>> -> memref<1024xf32, #tpu.memory_space<hbm>>
    %dma_start3A_17 = tpu.memref_slice %arg5[%mul3A_2] : memref<32768xf32, #tpu.memory_space<hbm>> -> memref<1024xf32, #tpu.memory_space<hbm>>
    tpu.enqueue_dma source(%arg10 : memref<1024xf32, #tpu.memory_space<vmem>>) target(%dma_start3A_17 : memref<1024xf32, #tpu.memory_space<hbm>>) target_semaphore(%arg16 : memref<!tpu.dma_semaphore, #tpu.memory_space<semaphore_mem>>)
    %eq3A = arith.constant 0 : i32
    %eq3A_18 = vector.broadcast %eq3A : i32 to vector<16xi32>
    %eq3A_19 = arith.cmpi eq, %iota3A, %eq3A_18 : vector<16xi32>
    %xor3A = arith.constant 8 : i32
    %xor3A_20 = vector.broadcast %xor3A : i32 to vector<16xi32>
    %xor3A_21 = arith.xori %iota3A, %xor3A_20 : vector<16xi32>
    %lt3A = arith.constant 0 : i32
    %lt3A_22 = vector.broadcast %lt3A : i32 to vector<16xi32>
    %lt3A_23 = arith.cmpi slt, %xor3A_21, %lt3A_22 : vector<16xi32>
    %add3A_24 = arith.constant 16 : i32
    %add3A_25 = vector.broadcast %add3A_24 : i32 to vector<16xi32>
    %add3A_26 = arith.addi %xor3A_21, %add3A_25 : vector<16xi32>
    %select_n3A = arith.select %lt3A_23, %add3A_26, %xor3A_21 : vector<16xi1>, vector<16xi32>
    %broadcast_in_dim3A_27 = vector.shape_cast %select_n3A : vector<16xi32> to vector<16x1xi32>
    %gather3A = vector.shape_cast %broadcast_in_dim3A_27 : vector<16x1xi32> to vector<16xi32>
    %gather3A_28 = tpu.dynamic_gather %scan3A_9#0[%gather3A] in [0] : vector<16xf32>, vector<16xi32> -> vector<16xf32>
    %add3A_29 = arith.addf %scan3A_9#0, %gather3A_28 : vector<16xf32>
    %xor3A_30 = arith.constant 4 : i32
    %xor3A_31 = vector.broadcast %xor3A_30 : i32 to vector<16xi32>
    %xor3A_32 = arith.xori %iota3A, %xor3A_31 : vector<16xi32>
    %lt3A_33 = arith.constant 0 : i32
    %lt3A_34 = vector.broadcast %lt3A_33 : i32 to vector<16xi32>
    %lt3A_35 = arith.cmpi slt, %xor3A_32, %lt3A_34 : vector<16xi32>
    %add3A_36 = arith.constant 16 : i32
    %add3A_37 = vector.broadcast %add3A_36 : i32 to vector<16xi32>
    %add3A_38 = arith.addi %xor3A_32, %add3A_37 : vector<16xi32>
    %select_n3A_39 = arith.select %lt3A_35, %add3A_38, %xor3A_32 : vector<16xi1>, vector<16xi32>
    %broadcast_in_dim3A_40 = vector.shape_cast %select_n3A_39 : vector<16xi32> to vector<16x1xi32>
    %gather3A_41 = vector.shape_cast %broadcast_in_dim3A_40 : vector<16x1xi32> to vector<16xi32>
    %gather3A_42 = tpu.dynamic_gather %add3A_29[%gather3A_41] in [0] : vector<16xf32>, vector<16xi32> -> vector<16xf32>
    %add3A_43 = arith.addf %add3A_29, %gather3A_42 : vector<16xf32>
    %xor3A_44 = arith.constant 2 : i32
    %xor3A_45 = vector.broadcast %xor3A_44 : i32 to vector<16xi32>
    %xor3A_46 = arith.xori %iota3A, %xor3A_45 : vector<16xi32>
    %lt3A_47 = arith.constant 0 : i32
    %lt3A_48 = vector.broadcast %lt3A_47 : i32 to vector<16xi32>
    %lt3A_49 = arith.cmpi slt, %xor3A_46, %lt3A_48 : vector<16xi32>
    %add3A_50 = arith.constant 16 : i32
    %add3A_51 = vector.broadcast %add3A_50 : i32 to vector<16xi32>
    %add3A_52 = arith.addi %xor3A_46, %add3A_51 : vector<16xi32>
    %select_n3A_53 = arith.select %lt3A_49, %add3A_52, %xor3A_46 : vector<16xi1>, vector<16xi32>
    %broadcast_in_dim3A_54 = vector.shape_cast %select_n3A_53 : vector<16xi32> to vector<16x1xi32>
    %gather3A_55 = vector.shape_cast %broadcast_in_dim3A_54 : vector<16x1xi32> to vector<16xi32>
    %gather3A_56 = tpu.dynamic_gather %add3A_43[%gather3A_55] in [0] : vector<16xf32>, vector<16xi32> -> vector<16xf32>
    %add3A_57 = arith.addf %add3A_43, %gather3A_56 : vector<16xf32>
    %xor3A_58 = arith.constant 1 : i32
    %xor3A_59 = vector.broadcast %xor3A_58 : i32 to vector<16xi32>
    %xor3A_60 = arith.xori %iota3A, %xor3A_59 : vector<16xi32>
    %lt3A_61 = arith.constant 0 : i32
    %lt3A_62 = vector.broadcast %lt3A_61 : i32 to vector<16xi32>
    %lt3A_63 = arith.cmpi slt, %xor3A_60, %lt3A_62 : vector<16xi32>
    %add3A_64 = arith.constant 16 : i32
    %add3A_65 = vector.broadcast %add3A_64 : i32 to vector<16xi32>
    %add3A_66 = arith.addi %xor3A_60, %add3A_65 : vector<16xi32>
    %select_n3A_67 = arith.select %lt3A_63, %add3A_66, %xor3A_60 : vector<16xi1>, vector<16xi32>
    %broadcast_in_dim3A_68 = vector.shape_cast %select_n3A_67 : vector<16xi32> to vector<16x1xi32>
    %gather3A_69 = vector.shape_cast %broadcast_in_dim3A_68 : vector<16x1xi32> to vector<16xi32>
    %gather3A_70 = tpu.dynamic_gather %add3A_57[%gather3A_69] in [0] : vector<16xf32>, vector<16xi32> -> vector<16xf32>
    %add3A_71 = arith.addf %add3A_57, %gather3A_70 : vector<16xf32>
    %select_n3A_72 = arith.select %eq3A_19, %add3A_71, %broadcast_in_dim3A_5 : vector<16xi1>, vector<16xf32>
    %eq3A_73 = arith.constant 8 : i32
    %eq3A_74 = vector.broadcast %eq3A_73 : i32 to vector<16xi32>
    %eq3A_75 = arith.cmpi eq, %iota3A, %eq3A_74 : vector<16xi32>
    %xor3A_76 = arith.constant 8 : i32
    %xor3A_77 = vector.broadcast %xor3A_76 : i32 to vector<16xi32>
    %xor3A_78 = arith.xori %iota3A, %xor3A_77 : vector<16xi32>
    %lt3A_79 = arith.constant 0 : i32
    %lt3A_80 = vector.broadcast %lt3A_79 : i32 to vector<16xi32>
    %lt3A_81 = arith.cmpi slt, %xor3A_78, %lt3A_80 : vector<16xi32>
    %add3A_82 = arith.constant 16 : i32
    %add3A_83 = vector.broadcast %add3A_82 : i32 to vector<16xi32>
    %add3A_84 = arith.addi %xor3A_78, %add3A_83 : vector<16xi32>
    %select_n3A_85 = arith.select %lt3A_81, %add3A_84, %xor3A_78 : vector<16xi1>, vector<16xi32>
    %broadcast_in_dim3A_86 = vector.shape_cast %select_n3A_85 : vector<16xi32> to vector<16x1xi32>
    %gather3A_87 = vector.shape_cast %broadcast_in_dim3A_86 : vector<16x1xi32> to vector<16xi32>
    %gather3A_88 = tpu.dynamic_gather %scan3A_9#8[%gather3A_87] in [0] : vector<16xf32>, vector<16xi32> -> vector<16xf32>
    %add3A_89 = arith.addf %scan3A_9#8, %gather3A_88 : vector<16xf32>
    %xor3A_90 = arith.constant 4 : i32
    %xor3A_91 = vector.broadcast %xor3A_90 : i32 to vector<16xi32>
    %xor3A_92 = arith.xori %iota3A, %xor3A_91 : vector<16xi32>
    %lt3A_93 = arith.constant 0 : i32
    %lt3A_94 = vector.broadcast %lt3A_93 : i32 to vector<16xi32>
    %lt3A_95 = arith.cmpi slt, %xor3A_92, %lt3A_94 : vector<16xi32>
    %add3A_96 = arith.constant 16 : i32
    %add3A_97 = vector.broadcast %add3A_96 : i32 to vector<16xi32>
    %add3A_98 = arith.addi %xor3A_92, %add3A_97 : vector<16xi32>
    %select_n3A_99 = arith.select %lt3A_95, %add3A_98, %xor3A_92 : vector<16xi1>, vector<16xi32>
    %broadcast_in_dim3A_100 = vector.shape_cast %select_n3A_99 : vector<16xi32> to vector<16x1xi32>
    %gather3A_101 = vector.shape_cast %broadcast_in_dim3A_100 : vector<16x1xi32> to vector<16xi32>
    %gather3A_102 = tpu.dynamic_gather %add3A_89[%gather3A_101] in [0] : vector<16xf32>, vector<16xi32> -> vector<16xf32>
    %add3A_103 = arith.addf %add3A_89, %gather3A_102 : vector<16xf32>
    %xor3A_104 = arith.constant 2 : i32
    %xor3A_105 = vector.broadcast %xor3A_104 : i32 to vector<16xi32>
    %xor3A_106 = arith.xori %iota3A, %xor3A_105 : vector<16xi32>
    %lt3A_107 = arith.constant 0 : i32
    %lt3A_108 = vector.broadcast %lt3A_107 : i32 to vector<16xi32>
    %lt3A_109 = arith.cmpi slt, %xor3A_106, %lt3A_108 : vector<16xi32>
    %add3A_110 = arith.constant 16 : i32
    %add3A_111 = vector.broadcast %add3A_110 : i32 to vector<16xi32>
    %add3A_112 = arith.addi %xor3A_106, %add3A_111 : vector<16xi32>
    %select_n3A_113 = arith.select %lt3A_109, %add3A_112, %xor3A_106 : vector<16xi1>, vector<16xi32>
    %broadcast_in_dim3A_114 = vector.shape_cast %select_n3A_113 : vector<16xi32> to vector<16x1xi32>
    %gather3A_115 = vector.shape_cast %broadcast_in_dim3A_114 : vector<16x1xi32> to vector<16xi32>
    %gather3A_116 = tpu.dynamic_gather %add3A_103[%gather3A_115] in [0] : vector<16xf32>, vector<16xi32> -> vector<16xf32>
    %add3A_117 = arith.addf %add3A_103, %gather3A_116 : vector<16xf32>
    %xor3A_118 = arith.constant 1 : i32
    %xor3A_119 = vector.broadcast %xor3A_118 : i32 to vector<16xi32>
    %xor3A_120 = arith.xori %iota3A, %xor3A_119 : vector<16xi32>
    %lt3A_121 = arith.constant 0 : i32
    %lt3A_122 = vector.broadcast %lt3A_121 : i32 to vector<16xi32>
    %lt3A_123 = arith.cmpi slt, %xor3A_120, %lt3A_122 : vector<16xi32>
    %add3A_124 = arith.constant 16 : i32
    %add3A_125 = vector.broadcast %add3A_124 : i32 to vector<16xi32>
    %add3A_126 = arith.addi %xor3A_120, %add3A_125 : vector<16xi32>
    %select_n3A_127 = arith.select %lt3A_123, %add3A_126, %xor3A_120 : vector<16xi1>, vector<16xi32>
    %broadcast_in_dim3A_128 = vector.shape_cast %select_n3A_127 : vector<16xi32> to vector<16x1xi32>
    %gather3A_129 = vector.shape_cast %broadcast_in_dim3A_128 : vector<16x1xi32> to vector<16xi32>
    %gather3A_130 = tpu.dynamic_gather %add3A_117[%gather3A_129] in [0] : vector<16xf32>, vector<16xi32> -> vector<16xf32>
    %add3A_131 = arith.addf %add3A_117, %gather3A_130 : vector<16xf32>
    %select_n3A_132 = arith.select %eq3A_75, %add3A_131, %select_n3A_72 : vector<16xi1>, vector<16xf32>
    %eq3A_133 = arith.constant 1 : i32
    %eq3A_134 = vector.broadcast %eq3A_133 : i32 to vector<16xi32>
    %eq3A_135 = arith.cmpi eq, %iota3A, %eq3A_134 : vector<16xi32>
    %xor3A_136 = arith.constant 8 : i32
    %xor3A_137 = vector.broadcast %xor3A_136 : i32 to vector<16xi32>
    %xor3A_138 = arith.xori %iota3A, %xor3A_137 : vector<16xi32>
    %lt3A_139 = arith.constant 0 : i32
    %lt3A_140 = vector.broadcast %lt3A_139 : i32 to vector<16xi32>
    %lt3A_141 = arith.cmpi slt, %xor3A_138, %lt3A_140 : vector<16xi32>
    %add3A_142 = arith.constant 16 : i32
    %add3A_143 = vector.broadcast %add3A_142 : i32 to vector<16xi32>
    %add3A_144 = arith.addi %xor3A_138, %add3A_143 : vector<16xi32>
    %select_n3A_145 = arith.select %lt3A_141, %add3A_144, %xor3A_138 : vector<16xi1>, vector<16xi32>
    %broadcast_in_dim3A_146 = vector.shape_cast %select_n3A_145 : vector<16xi32> to vector<16x1xi32>
    %gather3A_147 = vector.shape_cast %broadcast_in_dim3A_146 : vector<16x1xi32> to vector<16xi32>
    %gather3A_148 = tpu.dynamic_gather %scan3A_9#1[%gather3A_147] in [0] : vector<16xf32>, vector<16xi32> -> vector<16xf32>
    %add3A_149 = arith.addf %scan3A_9#1, %gather3A_148 : vector<16xf32>
    %xor3A_150 = arith.constant 4 : i32
    %xor3A_151 = vector.broadcast %xor3A_150 : i32 to vector<16xi32>
    %xor3A_152 = arith.xori %iota3A, %xor3A_151 : vector<16xi32>
    %lt3A_153 = arith.constant 0 : i32
    %lt3A_154 = vector.broadcast %lt3A_153 : i32 to vector<16xi32>
    %lt3A_155 = arith.cmpi slt, %xor3A_152, %lt3A_154 : vector<16xi32>
    %add3A_156 = arith.constant 16 : i32
    %add3A_157 = vector.broadcast %add3A_156 : i32 to vector<16xi32>
    %add3A_158 = arith.addi %xor3A_152, %add3A_157 : vector<16xi32>
    %select_n3A_159 = arith.select %lt3A_155, %add3A_158, %xor3A_152 : vector<16xi1>, vector<16xi32>
    %broadcast_in_dim3A_160 = vector.shape_cast %select_n3A_159 : vector<16xi32> to vector<16x1xi32>
    %gather3A_161 = vector.shape_cast %broadcast_in_dim3A_160 : vector<16x1xi32> to vector<16xi32>
    %gather3A_162 = tpu.dynamic_gather %add3A_149[%gather3A_161] in [0] : vector<16xf32>, vector<16xi32> -> vector<16xf32>
    %add3A_163 = arith.addf %add3A_149, %gather3A_162 : vector<16xf32>
    %xor3A_164 = arith.constant 2 : i32
    %xor3A_165 = vector.broadcast %xor3A_164 : i32 to vector<16xi32>
    %xor3A_166 = arith.xori %iota3A, %xor3A_165 : vector<16xi32>
    %lt3A_167 = arith.constant 0 : i32
    %lt3A_168 = vector.broadcast %lt3A_167 : i32 to vector<16xi32>
    %lt3A_169 = arith.cmpi slt, %xor3A_166, %lt3A_168 : vector<16xi32>
    %add3A_170 = arith.constant 16 : i32
    %add3A_171 = vector.broadcast %add3A_170 : i32 to vector<16xi32>
    %add3A_172 = arith.addi %xor3A_166, %add3A_171 : vector<16xi32>
    %select_n3A_173 = arith.select %lt3A_169, %add3A_172, %xor3A_166 : vector<16xi1>, vector<16xi32>
    %broadcast_in_dim3A_174 = vector.shape_cast %select_n3A_173 : vector<16xi32> to vector<16x1xi32>
    %gather3A_175 = vector.shape_cast %broadcast_in_dim3A_174 : vector<16x1xi32> to vector<16xi32>
    %gather3A_176 = tpu.dynamic_gather %add3A_163[%gather3A_175] in [0] : vector<16xf32>, vector<16xi32> -> vector<16xf32>
    %add3A_177 = arith.addf %add3A_163, %gather3A_176 : vector<16xf32>
    %xor3A_178 = arith.constant 1 : i32
    %xor3A_179 = vector.broadcast %xor3A_178 : i32 to vector<16xi32>
    %xor3A_180 = arith.xori %iota3A, %xor3A_179 : vector<16xi32>
    %lt3A_181 = arith.constant 0 : i32
    %lt3A_182 = vector.broadcast %lt3A_181 : i32 to vector<16xi32>
    %lt3A_183 = arith.cmpi slt, %xor3A_180, %lt3A_182 : vector<16xi32>
    %add3A_184 = arith.constant 16 : i32
    %add3A_185 = vector.broadcast %add3A_184 : i32 to vector<16xi32>
    %add3A_186 = arith.addi %xor3A_180, %add3A_185 : vector<16xi32>
    %select_n3A_187 = arith.select %lt3A_183, %add3A_186, %xor3A_180 : vector<16xi1>, vector<16xi32>
    %broadcast_in_dim3A_188 = vector.shape_cast %select_n3A_187 : vector<16xi32> to vector<16x1xi32>
    %gather3A_189 = vector.shape_cast %broadcast_in_dim3A_188 : vector<16x1xi32> to vector<16xi32>
    %gather3A_190 = tpu.dynamic_gather %add3A_177[%gather3A_189] in [0] : vector<16xf32>, vector<16xi32> -> vector<16xf32>
    %add3A_191 = arith.addf %add3A_177, %gather3A_190 : vector<16xf32>
    %select_n3A_192 = arith.select %eq3A_135, %add3A_191, %select_n3A_132 : vector<16xi1>, vector<16xf32>
    %eq3A_193 = arith.constant 9 : i32
    %eq3A_194 = vector.broadcast %eq3A_193 : i32 to vector<16xi32>
    %eq3A_195 = arith.cmpi eq, %iota3A, %eq3A_194 : vector<16xi32>
    %xor3A_196 = arith.constant 8 : i32
    %xor3A_197 = vector.broadcast %xor3A_196 : i32 to vector<16xi32>
    %xor3A_198 = arith.xori %iota3A, %xor3A_197 : vector<16xi32>
    %lt3A_199 = arith.constant 0 : i32
    %lt3A_200 = vector.broadcast %lt3A_199 : i32 to vector<16xi32>
    %lt3A_201 = arith.cmpi slt, %xor3A_198, %lt3A_200 : vector<16xi32>
    %add3A_202 = arith.constant 16 : i32
    %add3A_203 = vector.broadcast %add3A_202 : i32 to vector<16xi32>
    %add3A_204 = arith.addi %xor3A_198, %add3A_203 : vector<16xi32>
    %select_n3A_205 = arith.select %lt3A_201, %add3A_204, %xor3A_198 : vector<16xi1>, vector<16xi32>
    %broadcast_in_dim3A_206 = vector.shape_cast %select_n3A_205 : vector<16xi32> to vector<16x1xi32>
    %gather3A_207 = vector.shape_cast %broadcast_in_dim3A_206 : vector<16x1xi32> to vector<16xi32>
    %gather3A_208 = tpu.dynamic_gather %scan3A_9#9[%gather3A_207] in [0] : vector<16xf32>, vector<16xi32> -> vector<16xf32>
    %add3A_209 = arith.addf %scan3A_9#9, %gather3A_208 : vector<16xf32>
    %xor3A_210 = arith.constant 4 : i32
    %xor3A_211 = vector.broadcast %xor3A_210 : i32 to vector<16xi32>
    %xor3A_212 = arith.xori %iota3A, %xor3A_211 : vector<16xi32>
    %lt3A_213 = arith.constant 0 : i32
    %lt3A_214 = vector.broadcast %lt3A_213 : i32 to vector<16xi32>
    %lt3A_215 = arith.cmpi slt, %xor3A_212, %lt3A_214 : vector<16xi32>
    %add3A_216 = arith.constant 16 : i32
    %add3A_217 = vector.broadcast %add3A_216 : i32 to vector<16xi32>
    %add3A_218 = arith.addi %xor3A_212, %add3A_217 : vector<16xi32>
    %select_n3A_219 = arith.select %lt3A_215, %add3A_218, %xor3A_212 : vector<16xi1>, vector<16xi32>
    %broadcast_in_dim3A_220 = vector.shape_cast %select_n3A_219 : vector<16xi32> to vector<16x1xi32>
    %gather3A_221 = vector.shape_cast %broadcast_in_dim3A_220 : vector<16x1xi32> to vector<16xi32>
    %gather3A_222 = tpu.dynamic_gather %add3A_209[%gather3A_221] in [0] : vector<16xf32>, vector<16xi32> -> vector<16xf32>
    %add3A_223 = arith.addf %add3A_209, %gather3A_222 : vector<16xf32>
    %xor3A_224 = arith.constant 2 : i32
    %xor3A_225 = vector.broadcast %xor3A_224 : i32 to vector<16xi32>
    %xor3A_226 = arith.xori %iota3A, %xor3A_225 : vector<16xi32>
    %lt3A_227 = arith.constant 0 : i32
    %lt3A_228 = vector.broadcast %lt3A_227 : i32 to vector<16xi32>
    %lt3A_229 = arith.cmpi slt, %xor3A_226, %lt3A_228 : vector<16xi32>
    %add3A_230 = arith.constant 16 : i32
    %add3A_231 = vector.broadcast %add3A_230 : i32 to vector<16xi32>
    %add3A_232 = arith.addi %xor3A_226, %add3A_231 : vector<16xi32>
    %select_n3A_233 = arith.select %lt3A_229, %add3A_232, %xor3A_226 : vector<16xi1>, vector<16xi32>
    %broadcast_in_dim3A_234 = vector.shape_cast %select_n3A_233 : vector<16xi32> to vector<16x1xi32>
    %gather3A_235 = vector.shape_cast %broadcast_in_dim3A_234 : vector<16x1xi32> to vector<16xi32>
    %gather3A_236 = tpu.dynamic_gather %add3A_223[%gather3A_235] in [0] : vector<16xf32>, vector<16xi32> -> vector<16xf32>
    %add3A_237 = arith.addf %add3A_223, %gather3A_236 : vector<16xf32>
    %xor3A_238 = arith.constant 1 : i32
    %xor3A_239 = vector.broadcast %xor3A_238 : i32 to vector<16xi32>
    %xor3A_240 = arith.xori %iota3A, %xor3A_239 : vector<16xi32>
    %lt3A_241 = arith.constant 0 : i32
    %lt3A_242 = vector.broadcast %lt3A_241 : i32 to vector<16xi32>
    %lt3A_243 = arith.cmpi slt, %xor3A_240, %lt3A_242 : vector<16xi32>
    %add3A_244 = arith.constant 16 : i32
    %add3A_245 = vector.broadcast %add3A_244 : i32 to vector<16xi32>
    %add3A_246 = arith.addi %xor3A_240, %add3A_245 : vector<16xi32>
    %select_n3A_247 = arith.select %lt3A_243, %add3A_246, %xor3A_240 : vector<16xi1>, vector<16xi32>
    %broadcast_in_dim3A_248 = vector.shape_cast %select_n3A_247 : vector<16xi32> to vector<16x1xi32>
    %gather3A_249 = vector.shape_cast %broadcast_in_dim3A_248 : vector<16x1xi32> to vector<16xi32>
    %gather3A_250 = tpu.dynamic_gather %add3A_237[%gather3A_249] in [0] : vector<16xf32>, vector<16xi32> -> vector<16xf32>
    %add3A_251 = arith.addf %add3A_237, %gather3A_250 : vector<16xf32>
    %select_n3A_252 = arith.select %eq3A_195, %add3A_251, %select_n3A_192 : vector<16xi1>, vector<16xf32>
    %eq3A_253 = arith.constant 2 : i32
    %eq3A_254 = vector.broadcast %eq3A_253 : i32 to vector<16xi32>
    %eq3A_255 = arith.cmpi eq, %iota3A, %eq3A_254 : vector<16xi32>
    %xor3A_256 = arith.constant 8 : i32
    %xor3A_257 = vector.broadcast %xor3A_256 : i32 to vector<16xi32>
    %xor3A_258 = arith.xori %iota3A, %xor3A_257 : vector<16xi32>
    %lt3A_259 = arith.constant 0 : i32
    %lt3A_260 = vector.broadcast %lt3A_259 : i32 to vector<16xi32>
    %lt3A_261 = arith.cmpi slt, %xor3A_258, %lt3A_260 : vector<16xi32>
    %add3A_262 = arith.constant 16 : i32
    %add3A_263 = vector.broadcast %add3A_262 : i32 to vector<16xi32>
    %add3A_264 = arith.addi %xor3A_258, %add3A_263 : vector<16xi32>
    %select_n3A_265 = arith.select %lt3A_261, %add3A_264, %xor3A_258 : vector<16xi1>, vector<16xi32>
    %broadcast_in_dim3A_266 = vector.shape_cast %select_n3A_265 : vector<16xi32> to vector<16x1xi32>
    %gather3A_267 = vector.shape_cast %broadcast_in_dim3A_266 : vector<16x1xi32> to vector<16xi32>
    %gather3A_268 = tpu.dynamic_gather %scan3A_9#2[%gather3A_267] in [0] : vector<16xf32>, vector<16xi32> -> vector<16xf32>
    %add3A_269 = arith.addf %scan3A_9#2, %gather3A_268 : vector<16xf32>
    %xor3A_270 = arith.constant 4 : i32
    %xor3A_271 = vector.broadcast %xor3A_270 : i32 to vector<16xi32>
    %xor3A_272 = arith.xori %iota3A, %xor3A_271 : vector<16xi32>
    %lt3A_273 = arith.constant 0 : i32
    %lt3A_274 = vector.broadcast %lt3A_273 : i32 to vector<16xi32>
    %lt3A_275 = arith.cmpi slt, %xor3A_272, %lt3A_274 : vector<16xi32>
    %add3A_276 = arith.constant 16 : i32
    %add3A_277 = vector.broadcast %add3A_276 : i32 to vector<16xi32>
    %add3A_278 = arith.addi %xor3A_272, %add3A_277 : vector<16xi32>
    %select_n3A_279 = arith.select %lt3A_275, %add3A_278, %xor3A_272 : vector<16xi1>, vector<16xi32>
    %broadcast_in_dim3A_280 = vector.shape_cast %select_n3A_279 : vector<16xi32> to vector<16x1xi32>
    %gather3A_281 = vector.shape_cast %broadcast_in_dim3A_280 : vector<16x1xi32> to vector<16xi32>
    %gather3A_282 = tpu.dynamic_gather %add3A_269[%gather3A_281] in [0] : vector<16xf32>, vector<16xi32> -> vector<16xf32>
    %add3A_283 = arith.addf %add3A_269, %gather3A_282 : vector<16xf32>
    %xor3A_284 = arith.constant 2 : i32
    %xor3A_285 = vector.broadcast %xor3A_284 : i32 to vector<16xi32>
    %xor3A_286 = arith.xori %iota3A, %xor3A_285 : vector<16xi32>
    %lt3A_287 = arith.constant 0 : i32
    %lt3A_288 = vector.broadcast %lt3A_287 : i32 to vector<16xi32>
    %lt3A_289 = arith.cmpi slt, %xor3A_286, %lt3A_288 : vector<16xi32>
    %add3A_290 = arith.constant 16 : i32
    %add3A_291 = vector.broadcast %add3A_290 : i32 to vector<16xi32>
    %add3A_292 = arith.addi %xor3A_286, %add3A_291 : vector<16xi32>
    %select_n3A_293 = arith.select %lt3A_289, %add3A_292, %xor3A_286 : vector<16xi1>, vector<16xi32>
    %broadcast_in_dim3A_294 = vector.shape_cast %select_n3A_293 : vector<16xi32> to vector<16x1xi32>
    %gather3A_295 = vector.shape_cast %broadcast_in_dim3A_294 : vector<16x1xi32> to vector<16xi32>
    %gather3A_296 = tpu.dynamic_gather %add3A_283[%gather3A_295] in [0] : vector<16xf32>, vector<16xi32> -> vector<16xf32>
    %add3A_297 = arith.addf %add3A_283, %gather3A_296 : vector<16xf32>
    %xor3A_298 = arith.constant 1 : i32
    %xor3A_299 = vector.broadcast %xor3A_298 : i32 to vector<16xi32>
    %xor3A_300 = arith.xori %iota3A, %xor3A_299 : vector<16xi32>
    %lt3A_301 = arith.constant 0 : i32
    %lt3A_302 = vector.broadcast %lt3A_301 : i32 to vector<16xi32>
    %lt3A_303 = arith.cmpi slt, %xor3A_300, %lt3A_302 : vector<16xi32>
    %add3A_304 = arith.constant 16 : i32
    %add3A_305 = vector.broadcast %add3A_304 : i32 to vector<16xi32>
    %add3A_306 = arith.addi %xor3A_300, %add3A_305 : vector<16xi32>
    %select_n3A_307 = arith.select %lt3A_303, %add3A_306, %xor3A_300 : vector<16xi1>, vector<16xi32>
    %broadcast_in_dim3A_308 = vector.shape_cast %select_n3A_307 : vector<16xi32> to vector<16x1xi32>
    %gather3A_309 = vector.shape_cast %broadcast_in_dim3A_308 : vector<16x1xi32> to vector<16xi32>
    %gather3A_310 = tpu.dynamic_gather %add3A_297[%gather3A_309] in [0] : vector<16xf32>, vector<16xi32> -> vector<16xf32>
    %add3A_311 = arith.addf %add3A_297, %gather3A_310 : vector<16xf32>
    %select_n3A_312 = arith.select %eq3A_255, %add3A_311, %select_n3A_252 : vector<16xi1>, vector<16xf32>
    %eq3A_313 = arith.constant 10 : i32
    %eq3A_314 = vector.broadcast %eq3A_313 : i32 to vector<16xi32>
    %eq3A_315 = arith.cmpi eq, %iota3A, %eq3A_314 : vector<16xi32>
    %xor3A_316 = arith.constant 8 : i32
    %xor3A_317 = vector.broadcast %xor3A_316 : i32 to vector<16xi32>
    %xor3A_318 = arith.xori %iota3A, %xor3A_317 : vector<16xi32>
    %lt3A_319 = arith.constant 0 : i32
    %lt3A_320 = vector.broadcast %lt3A_319 : i32 to vector<16xi32>
    %lt3A_321 = arith.cmpi slt, %xor3A_318, %lt3A_320 : vector<16xi32>
    %add3A_322 = arith.constant 16 : i32
    %add3A_323 = vector.broadcast %add3A_322 : i32 to vector<16xi32>
    %add3A_324 = arith.addi %xor3A_318, %add3A_323 : vector<16xi32>
    %select_n3A_325 = arith.select %lt3A_321, %add3A_324, %xor3A_318 : vector<16xi1>, vector<16xi32>
    %broadcast_in_dim3A_326 = vector.shape_cast %select_n3A_325 : vector<16xi32> to vector<16x1xi32>
    %gather3A_327 = vector.shape_cast %broadcast_in_dim3A_326 : vector<16x1xi32> to vector<16xi32>
    %gather3A_328 = tpu.dynamic_gather %scan3A_9#10[%gather3A_327] in [0] : vector<16xf32>, vector<16xi32> -> vector<16xf32>
    %add3A_329 = arith.addf %scan3A_9#10, %gather3A_328 : vector<16xf32>
    %xor3A_330 = arith.constant 4 : i32
    %xor3A_331 = vector.broadcast %xor3A_330 : i32 to vector<16xi32>
    %xor3A_332 = arith.xori %iota3A, %xor3A_331 : vector<16xi32>
    %lt3A_333 = arith.constant 0 : i32
    %lt3A_334 = vector.broadcast %lt3A_333 : i32 to vector<16xi32>
    %lt3A_335 = arith.cmpi slt, %xor3A_332, %lt3A_334 : vector<16xi32>
    %add3A_336 = arith.constant 16 : i32
    %add3A_337 = vector.broadcast %add3A_336 : i32 to vector<16xi32>
    %add3A_338 = arith.addi %xor3A_332, %add3A_337 : vector<16xi32>
    %select_n3A_339 = arith.select %lt3A_335, %add3A_338, %xor3A_332 : vector<16xi1>, vector<16xi32>
    %broadcast_in_dim3A_340 = vector.shape_cast %select_n3A_339 : vector<16xi32> to vector<16x1xi32>
    %gather3A_341 = vector.shape_cast %broadcast_in_dim3A_340 : vector<16x1xi32> to vector<16xi32>
    %gather3A_342 = tpu.dynamic_gather %add3A_329[%gather3A_341] in [0] : vector<16xf32>, vector<16xi32> -> vector<16xf32>
    %add3A_343 = arith.addf %add3A_329, %gather3A_342 : vector<16xf32>
    %xor3A_344 = arith.constant 2 : i32
    %xor3A_345 = vector.broadcast %xor3A_344 : i32 to vector<16xi32>
    %xor3A_346 = arith.xori %iota3A, %xor3A_345 : vector<16xi32>
    %lt3A_347 = arith.constant 0 : i32
    %lt3A_348 = vector.broadcast %lt3A_347 : i32 to vector<16xi32>
    %lt3A_349 = arith.cmpi slt, %xor3A_346, %lt3A_348 : vector<16xi32>
    %add3A_350 = arith.constant 16 : i32
    %add3A_351 = vector.broadcast %add3A_350 : i32 to vector<16xi32>
    %add3A_352 = arith.addi %xor3A_346, %add3A_351 : vector<16xi32>
    %select_n3A_353 = arith.select %lt3A_349, %add3A_352, %xor3A_346 : vector<16xi1>, vector<16xi32>
    %broadcast_in_dim3A_354 = vector.shape_cast %select_n3A_353 : vector<16xi32> to vector<16x1xi32>
    %gather3A_355 = vector.shape_cast %broadcast_in_dim3A_354 : vector<16x1xi32> to vector<16xi32>
    %gather3A_356 = tpu.dynamic_gather %add3A_343[%gather3A_355] in [0] : vector<16xf32>, vector<16xi32> -> vector<16xf32>
    %add3A_357 = arith.addf %add3A_343, %gather3A_356 : vector<16xf32>
    %xor3A_358 = arith.constant 1 : i32
    %xor3A_359 = vector.broadcast %xor3A_358 : i32 to vector<16xi32>
    %xor3A_360 = arith.xori %iota3A, %xor3A_359 : vector<16xi32>
    %lt3A_361 = arith.constant 0 : i32
    %lt3A_362 = vector.broadcast %lt3A_361 : i32 to vector<16xi32>
    %lt3A_363 = arith.cmpi slt, %xor3A_360, %lt3A_362 : vector<16xi32>
    %add3A_364 = arith.constant 16 : i32
    %add3A_365 = vector.broadcast %add3A_364 : i32 to vector<16xi32>
    %add3A_366 = arith.addi %xor3A_360, %add3A_365 : vector<16xi32>
    %select_n3A_367 = arith.select %lt3A_363, %add3A_366, %xor3A_360 : vector<16xi1>, vector<16xi32>
    %broadcast_in_dim3A_368 = vector.shape_cast %select_n3A_367 : vector<16xi32> to vector<16x1xi32>
    %gather3A_369 = vector.shape_cast %broadcast_in_dim3A_368 : vector<16x1xi32> to vector<16xi32>
    %gather3A_370 = tpu.dynamic_gather %add3A_357[%gather3A_369] in [0] : vector<16xf32>, vector<16xi32> -> vector<16xf32>
    %add3A_371 = arith.addf %add3A_357, %gather3A_370 : vector<16xf32>
    %select_n3A_372 = arith.select %eq3A_315, %add3A_371, %select_n3A_312 : vector<16xi1>, vector<16xf32>
    %eq3A_373 = arith.constant 3 : i32
    %eq3A_374 = vector.broadcast %eq3A_373 : i32 to vector<16xi32>
    %eq3A_375 = arith.cmpi eq, %iota3A, %eq3A_374 : vector<16xi32>
    %xor3A_376 = arith.constant 8 : i32
    %xor3A_377 = vector.broadcast %xor3A_376 : i32 to vector<16xi32>
    %xor3A_378 = arith.xori %iota3A, %xor3A_377 : vector<16xi32>
    %lt3A_379 = arith.constant 0 : i32
    %lt3A_380 = vector.broadcast %lt3A_379 : i32 to vector<16xi32>
    %lt3A_381 = arith.cmpi slt, %xor3A_378, %lt3A_380 : vector<16xi32>
    %add3A_382 = arith.constant 16 : i32
    %add3A_383 = vector.broadcast %add3A_382 : i32 to vector<16xi32>
    %add3A_384 = arith.addi %xor3A_378, %add3A_383 : vector<16xi32>
    %select_n3A_385 = arith.select %lt3A_381, %add3A_384, %xor3A_378 : vector<16xi1>, vector<16xi32>
    %broadcast_in_dim3A_386 = vector.shape_cast %select_n3A_385 : vector<16xi32> to vector<16x1xi32>
    %gather3A_387 = vector.shape_cast %broadcast_in_dim3A_386 : vector<16x1xi32> to vector<16xi32>
    %gather3A_388 = tpu.dynamic_gather %scan3A_9#3[%gather3A_387] in [0] : vector<16xf32>, vector<16xi32> -> vector<16xf32>
    %add3A_389 = arith.addf %scan3A_9#3, %gather3A_388 : vector<16xf32>
    %xor3A_390 = arith.constant 4 : i32
    %xor3A_391 = vector.broadcast %xor3A_390 : i32 to vector<16xi32>
    %xor3A_392 = arith.xori %iota3A, %xor3A_391 : vector<16xi32>
    %lt3A_393 = arith.constant 0 : i32
    %lt3A_394 = vector.broadcast %lt3A_393 : i32 to vector<16xi32>
    %lt3A_395 = arith.cmpi slt, %xor3A_392, %lt3A_394 : vector<16xi32>
    %add3A_396 = arith.constant 16 : i32
    %add3A_397 = vector.broadcast %add3A_396 : i32 to vector<16xi32>
    %add3A_398 = arith.addi %xor3A_392, %add3A_397 : vector<16xi32>
    %select_n3A_399 = arith.select %lt3A_395, %add3A_398, %xor3A_392 : vector<16xi1>, vector<16xi32>
    %broadcast_in_dim3A_400 = vector.shape_cast %select_n3A_399 : vector<16xi32> to vector<16x1xi32>
    %gather3A_401 = vector.shape_cast %broadcast_in_dim3A_400 : vector<16x1xi32> to vector<16xi32>
    %gather3A_402 = tpu.dynamic_gather %add3A_389[%gather3A_401] in [0] : vector<16xf32>, vector<16xi32> -> vector<16xf32>
    %add3A_403 = arith.addf %add3A_389, %gather3A_402 : vector<16xf32>
    %xor3A_404 = arith.constant 2 : i32
    %xor3A_405 = vector.broadcast %xor3A_404 : i32 to vector<16xi32>
    %xor3A_406 = arith.xori %iota3A, %xor3A_405 : vector<16xi32>
    %lt3A_407 = arith.constant 0 : i32
    %lt3A_408 = vector.broadcast %lt3A_407 : i32 to vector<16xi32>
    %lt3A_409 = arith.cmpi slt, %xor3A_406, %lt3A_408 : vector<16xi32>
    %add3A_410 = arith.constant 16 : i32
    %add3A_411 = vector.broadcast %add3A_410 : i32 to vector<16xi32>
    %add3A_412 = arith.addi %xor3A_406, %add3A_411 : vector<16xi32>
    %select_n3A_413 = arith.select %lt3A_409, %add3A_412, %xor3A_406 : vector<16xi1>, vector<16xi32>
    %broadcast_in_dim3A_414 = vector.shape_cast %select_n3A_413 : vector<16xi32> to vector<16x1xi32>
    %gather3A_415 = vector.shape_cast %broadcast_in_dim3A_414 : vector<16x1xi32> to vector<16xi32>
    %gather3A_416 = tpu.dynamic_gather %add3A_403[%gather3A_415] in [0] : vector<16xf32>, vector<16xi32> -> vector<16xf32>
    %add3A_417 = arith.addf %add3A_403, %gather3A_416 : vector<16xf32>
    %xor3A_418 = arith.constant 1 : i32
    %xor3A_419 = vector.broadcast %xor3A_418 : i32 to vector<16xi32>
    %xor3A_420 = arith.xori %iota3A, %xor3A_419 : vector<16xi32>
    %lt3A_421 = arith.constant 0 : i32
    %lt3A_422 = vector.broadcast %lt3A_421 : i32 to vector<16xi32>
    %lt3A_423 = arith.cmpi slt, %xor3A_420, %lt3A_422 : vector<16xi32>
    %add3A_424 = arith.constant 16 : i32
    %add3A_425 = vector.broadcast %add3A_424 : i32 to vector<16xi32>
    %add3A_426 = arith.addi %xor3A_420, %add3A_425 : vector<16xi32>
    %select_n3A_427 = arith.select %lt3A_423, %add3A_426, %xor3A_420 : vector<16xi1>, vector<16xi32>
    %broadcast_in_dim3A_428 = vector.shape_cast %select_n3A_427 : vector<16xi32> to vector<16x1xi32>
    %gather3A_429 = vector.shape_cast %broadcast_in_dim3A_428 : vector<16x1xi32> to vector<16xi32>
    %gather3A_430 = tpu.dynamic_gather %add3A_417[%gather3A_429] in [0] : vector<16xf32>, vector<16xi32> -> vector<16xf32>
    %add3A_431 = arith.addf %add3A_417, %gather3A_430 : vector<16xf32>
    %select_n3A_432 = arith.select %eq3A_375, %add3A_431, %select_n3A_372 : vector<16xi1>, vector<16xf32>
    %eq3A_433 = arith.constant 11 : i32
    %eq3A_434 = vector.broadcast %eq3A_433 : i32 to vector<16xi32>
    %eq3A_435 = arith.cmpi eq, %iota3A, %eq3A_434 : vector<16xi32>
    %xor3A_436 = arith.constant 8 : i32
    %xor3A_437 = vector.broadcast %xor3A_436 : i32 to vector<16xi32>
    %xor3A_438 = arith.xori %iota3A, %xor3A_437 : vector<16xi32>
    %lt3A_439 = arith.constant 0 : i32
    %lt3A_440 = vector.broadcast %lt3A_439 : i32 to vector<16xi32>
    %lt3A_441 = arith.cmpi slt, %xor3A_438, %lt3A_440 : vector<16xi32>
    %add3A_442 = arith.constant 16 : i32
    %add3A_443 = vector.broadcast %add3A_442 : i32 to vector<16xi32>
    %add3A_444 = arith.addi %xor3A_438, %add3A_443 : vector<16xi32>
    %select_n3A_445 = arith.select %lt3A_441, %add3A_444, %xor3A_438 : vector<16xi1>, vector<16xi32>
    %broadcast_in_dim3A_446 = vector.shape_cast %select_n3A_445 : vector<16xi32> to vector<16x1xi32>
    %gather3A_447 = vector.shape_cast %broadcast_in_dim3A_446 : vector<16x1xi32> to vector<16xi32>
    %gather3A_448 = tpu.dynamic_gather %scan3A_9#11[%gather3A_447] in [0] : vector<16xf32>, vector<16xi32> -> vector<16xf32>
    %add3A_449 = arith.addf %scan3A_9#11, %gather3A_448 : vector<16xf32>
    %xor3A_450 = arith.constant 4 : i32
    %xor3A_451 = vector.broadcast %xor3A_450 : i32 to vector<16xi32>
    %xor3A_452 = arith.xori %iota3A, %xor3A_451 : vector<16xi32>
    %lt3A_453 = arith.constant 0 : i32
    %lt3A_454 = vector.broadcast %lt3A_453 : i32 to vector<16xi32>
    %lt3A_455 = arith.cmpi slt, %xor3A_452, %lt3A_454 : vector<16xi32>
    %add3A_456 = arith.constant 16 : i32
    %add3A_457 = vector.broadcast %add3A_456 : i32 to vector<16xi32>
    %add3A_458 = arith.addi %xor3A_452, %add3A_457 : vector<16xi32>
    %select_n3A_459 = arith.select %lt3A_455, %add3A_458, %xor3A_452 : vector<16xi1>, vector<16xi32>
    %broadcast_in_dim3A_460 = vector.shape_cast %select_n3A_459 : vector<16xi32> to vector<16x1xi32>
    %gather3A_461 = vector.shape_cast %broadcast_in_dim3A_460 : vector<16x1xi32> to vector<16xi32>
    %gather3A_462 = tpu.dynamic_gather %add3A_449[%gather3A_461] in [0] : vector<16xf32>, vector<16xi32> -> vector<16xf32>
    %add3A_463 = arith.addf %add3A_449, %gather3A_462 : vector<16xf32>
    %xor3A_464 = arith.constant 2 : i32
    %xor3A_465 = vector.broadcast %xor3A_464 : i32 to vector<16xi32>
    %xor3A_466 = arith.xori %iota3A, %xor3A_465 : vector<16xi32>
    %lt3A_467 = arith.constant 0 : i32
    %lt3A_468 = vector.broadcast %lt3A_467 : i32 to vector<16xi32>
    %lt3A_469 = arith.cmpi slt, %xor3A_466, %lt3A_468 : vector<16xi32>
    %add3A_470 = arith.constant 16 : i32
    %add3A_471 = vector.broadcast %add3A_470 : i32 to vector<16xi32>
    %add3A_472 = arith.addi %xor3A_466, %add3A_471 : vector<16xi32>
    %select_n3A_473 = arith.select %lt3A_469, %add3A_472, %xor3A_466 : vector<16xi1>, vector<16xi32>
    %broadcast_in_dim3A_474 = vector.shape_cast %select_n3A_473 : vector<16xi32> to vector<16x1xi32>
    %gather3A_475 = vector.shape_cast %broadcast_in_dim3A_474 : vector<16x1xi32> to vector<16xi32>
    %gather3A_476 = tpu.dynamic_gather %add3A_463[%gather3A_475] in [0] : vector<16xf32>, vector<16xi32> -> vector<16xf32>
    %add3A_477 = arith.addf %add3A_463, %gather3A_476 : vector<16xf32>
    %xor3A_478 = arith.constant 1 : i32
    %xor3A_479 = vector.broadcast %xor3A_478 : i32 to vector<16xi32>
    %xor3A_480 = arith.xori %iota3A, %xor3A_479 : vector<16xi32>
    %lt3A_481 = arith.constant 0 : i32
    %lt3A_482 = vector.broadcast %lt3A_481 : i32 to vector<16xi32>
    %lt3A_483 = arith.cmpi slt, %xor3A_480, %lt3A_482 : vector<16xi32>
    %add3A_484 = arith.constant 16 : i32
    %add3A_485 = vector.broadcast %add3A_484 : i32 to vector<16xi32>
    %add3A_486 = arith.addi %xor3A_480, %add3A_485 : vector<16xi32>
    %select_n3A_487 = arith.select %lt3A_483, %add3A_486, %xor3A_480 : vector<16xi1>, vector<16xi32>
    %broadcast_in_dim3A_488 = vector.shape_cast %select_n3A_487 : vector<16xi32> to vector<16x1xi32>
    %gather3A_489 = vector.shape_cast %broadcast_in_dim3A_488 : vector<16x1xi32> to vector<16xi32>
    %gather3A_490 = tpu.dynamic_gather %add3A_477[%gather3A_489] in [0] : vector<16xf32>, vector<16xi32> -> vector<16xf32>
    %add3A_491 = arith.addf %add3A_477, %gather3A_490 : vector<16xf32>
    %select_n3A_492 = arith.select %eq3A_435, %add3A_491, %select_n3A_432 : vector<16xi1>, vector<16xf32>
    %eq3A_493 = arith.constant 4 : i32
    %eq3A_494 = vector.broadcast %eq3A_493 : i32 to vector<16xi32>
    %eq3A_495 = arith.cmpi eq, %iota3A, %eq3A_494 : vector<16xi32>
    %xor3A_496 = arith.constant 8 : i32
    %xor3A_497 = vector.broadcast %xor3A_496 : i32 to vector<16xi32>
    %xor3A_498 = arith.xori %iota3A, %xor3A_497 : vector<16xi32>
    %lt3A_499 = arith.constant 0 : i32
    %lt3A_500 = vector.broadcast %lt3A_499 : i32 to vector<16xi32>
    %lt3A_501 = arith.cmpi slt, %xor3A_498, %lt3A_500 : vector<16xi32>
    %add3A_502 = arith.constant 16 : i32
    %add3A_503 = vector.broadcast %add3A_502 : i32 to vector<16xi32>
    %add3A_504 = arith.addi %xor3A_498, %add3A_503 : vector<16xi32>
    %select_n3A_505 = arith.select %lt3A_501, %add3A_504, %xor3A_498 : vector<16xi1>, vector<16xi32>
    %broadcast_in_dim3A_506 = vector.shape_cast %select_n3A_505 : vector<16xi32> to vector<16x1xi32>
    %gather3A_507 = vector.shape_cast %broadcast_in_dim3A_506 : vector<16x1xi32> to vector<16xi32>
    %gather3A_508 = tpu.dynamic_gather %scan3A_9#4[%gather3A_507] in [0] : vector<16xf32>, vector<16xi32> -> vector<16xf32>
    %add3A_509 = arith.addf %scan3A_9#4, %gather3A_508 : vector<16xf32>
    %xor3A_510 = arith.constant 4 : i32
    %xor3A_511 = vector.broadcast %xor3A_510 : i32 to vector<16xi32>
    %xor3A_512 = arith.xori %iota3A, %xor3A_511 : vector<16xi32>
    %lt3A_513 = arith.constant 0 : i32
    %lt3A_514 = vector.broadcast %lt3A_513 : i32 to vector<16xi32>
    %lt3A_515 = arith.cmpi slt, %xor3A_512, %lt3A_514 : vector<16xi32>
    %add3A_516 = arith.constant 16 : i32
    %add3A_517 = vector.broadcast %add3A_516 : i32 to vector<16xi32>
    %add3A_518 = arith.addi %xor3A_512, %add3A_517 : vector<16xi32>
    %select_n3A_519 = arith.select %lt3A_515, %add3A_518, %xor3A_512 : vector<16xi1>, vector<16xi32>
    %broadcast_in_dim3A_520 = vector.shape_cast %select_n3A_519 : vector<16xi32> to vector<16x1xi32>
    %gather3A_521 = vector.shape_cast %broadcast_in_dim3A_520 : vector<16x1xi32> to vector<16xi32>
    %gather3A_522 = tpu.dynamic_gather %add3A_509[%gather3A_521] in [0] : vector<16xf32>, vector<16xi32> -> vector<16xf32>
    %add3A_523 = arith.addf %add3A_509, %gather3A_522 : vector<16xf32>
    %xor3A_524 = arith.constant 2 : i32
    %xor3A_525 = vector.broadcast %xor3A_524 : i32 to vector<16xi32>
    %xor3A_526 = arith.xori %iota3A, %xor3A_525 : vector<16xi32>
    %lt3A_527 = arith.constant 0 : i32
    %lt3A_528 = vector.broadcast %lt3A_527 : i32 to vector<16xi32>
    %lt3A_529 = arith.cmpi slt, %xor3A_526, %lt3A_528 : vector<16xi32>
    %add3A_530 = arith.constant 16 : i32
    %add3A_531 = vector.broadcast %add3A_530 : i32 to vector<16xi32>
    %add3A_532 = arith.addi %xor3A_526, %add3A_531 : vector<16xi32>
    %select_n3A_533 = arith.select %lt3A_529, %add3A_532, %xor3A_526 : vector<16xi1>, vector<16xi32>
    %broadcast_in_dim3A_534 = vector.shape_cast %select_n3A_533 : vector<16xi32> to vector<16x1xi32>
    %gather3A_535 = vector.shape_cast %broadcast_in_dim3A_534 : vector<16x1xi32> to vector<16xi32>
    %gather3A_536 = tpu.dynamic_gather %add3A_523[%gather3A_535] in [0] : vector<16xf32>, vector<16xi32> -> vector<16xf32>
    %add3A_537 = arith.addf %add3A_523, %gather3A_536 : vector<16xf32>
    %xor3A_538 = arith.constant 1 : i32
    %xor3A_539 = vector.broadcast %xor3A_538 : i32 to vector<16xi32>
    %xor3A_540 = arith.xori %iota3A, %xor3A_539 : vector<16xi32>
    %lt3A_541 = arith.constant 0 : i32
    %lt3A_542 = vector.broadcast %lt3A_541 : i32 to vector<16xi32>
    %lt3A_543 = arith.cmpi slt, %xor3A_540, %lt3A_542 : vector<16xi32>
    %add3A_544 = arith.constant 16 : i32
    %add3A_545 = vector.broadcast %add3A_544 : i32 to vector<16xi32>
    %add3A_546 = arith.addi %xor3A_540, %add3A_545 : vector<16xi32>
    %select_n3A_547 = arith.select %lt3A_543, %add3A_546, %xor3A_540 : vector<16xi1>, vector<16xi32>
    %broadcast_in_dim3A_548 = vector.shape_cast %select_n3A_547 : vector<16xi32> to vector<16x1xi32>
    %gather3A_549 = vector.shape_cast %broadcast_in_dim3A_548 : vector<16x1xi32> to vector<16xi32>
    %gather3A_550 = tpu.dynamic_gather %add3A_537[%gather3A_549] in [0] : vector<16xf32>, vector<16xi32> -> vector<16xf32>
    %add3A_551 = arith.addf %add3A_537, %gather3A_550 : vector<16xf32>
    %select_n3A_552 = arith.select %eq3A_495, %add3A_551, %select_n3A_492 : vector<16xi1>, vector<16xf32>
    %eq3A_553 = arith.constant 12 : i32
    %eq3A_554 = vector.broadcast %eq3A_553 : i32 to vector<16xi32>
    %eq3A_555 = arith.cmpi eq, %iota3A, %eq3A_554 : vector<16xi32>
    %xor3A_556 = arith.constant 8 : i32
    %xor3A_557 = vector.broadcast %xor3A_556 : i32 to vector<16xi32>
    %xor3A_558 = arith.xori %iota3A, %xor3A_557 : vector<16xi32>
    %lt3A_559 = arith.constant 0 : i32
    %lt3A_560 = vector.broadcast %lt3A_559 : i32 to vector<16xi32>
    %lt3A_561 = arith.cmpi slt, %xor3A_558, %lt3A_560 : vector<16xi32>
    %add3A_562 = arith.constant 16 : i32
    %add3A_563 = vector.broadcast %add3A_562 : i32 to vector<16xi32>
    %add3A_564 = arith.addi %xor3A_558, %add3A_563 : vector<16xi32>
    %select_n3A_565 = arith.select %lt3A_561, %add3A_564, %xor3A_558 : vector<16xi1>, vector<16xi32>
    %broadcast_in_dim3A_566 = vector.shape_cast %select_n3A_565 : vector<16xi32> to vector<16x1xi32>
    %gather3A_567 = vector.shape_cast %broadcast_in_dim3A_566 : vector<16x1xi32> to vector<16xi32>
    %gather3A_568 = tpu.dynamic_gather %scan3A_9#12[%gather3A_567] in [0] : vector<16xf32>, vector<16xi32> -> vector<16xf32>
    %add3A_569 = arith.addf %scan3A_9#12, %gather3A_568 : vector<16xf32>
    %xor3A_570 = arith.constant 4 : i32
    %xor3A_571 = vector.broadcast %xor3A_570 : i32 to vector<16xi32>
    %xor3A_572 = arith.xori %iota3A, %xor3A_571 : vector<16xi32>
    %lt3A_573 = arith.constant 0 : i32
    %lt3A_574 = vector.broadcast %lt3A_573 : i32 to vector<16xi32>
    %lt3A_575 = arith.cmpi slt, %xor3A_572, %lt3A_574 : vector<16xi32>
    %add3A_576 = arith.constant 16 : i32
    %add3A_577 = vector.broadcast %add3A_576 : i32 to vector<16xi32>
    %add3A_578 = arith.addi %xor3A_572, %add3A_577 : vector<16xi32>
    %select_n3A_579 = arith.select %lt3A_575, %add3A_578, %xor3A_572 : vector<16xi1>, vector<16xi32>
    %broadcast_in_dim3A_580 = vector.shape_cast %select_n3A_579 : vector<16xi32> to vector<16x1xi32>
    %gather3A_581 = vector.shape_cast %broadcast_in_dim3A_580 : vector<16x1xi32> to vector<16xi32>
    %gather3A_582 = tpu.dynamic_gather %add3A_569[%gather3A_581] in [0] : vector<16xf32>, vector<16xi32> -> vector<16xf32>
    %add3A_583 = arith.addf %add3A_569, %gather3A_582 : vector<16xf32>
    %xor3A_584 = arith.constant 2 : i32
    %xor3A_585 = vector.broadcast %xor3A_584 : i32 to vector<16xi32>
    %xor3A_586 = arith.xori %iota3A, %xor3A_585 : vector<16xi32>
    %lt3A_587 = arith.constant 0 : i32
    %lt3A_588 = vector.broadcast %lt3A_587 : i32 to vector<16xi32>
    %lt3A_589 = arith.cmpi slt, %xor3A_586, %lt3A_588 : vector<16xi32>
    %add3A_590 = arith.constant 16 : i32
    %add3A_591 = vector.broadcast %add3A_590 : i32 to vector<16xi32>
    %add3A_592 = arith.addi %xor3A_586, %add3A_591 : vector<16xi32>
    %select_n3A_593 = arith.select %lt3A_589, %add3A_592, %xor3A_586 : vector<16xi1>, vector<16xi32>
    %broadcast_in_dim3A_594 = vector.shape_cast %select_n3A_593 : vector<16xi32> to vector<16x1xi32>
    %gather3A_595 = vector.shape_cast %broadcast_in_dim3A_594 : vector<16x1xi32> to vector<16xi32>
    %gather3A_596 = tpu.dynamic_gather %add3A_583[%gather3A_595] in [0] : vector<16xf32>, vector<16xi32> -> vector<16xf32>
    %add3A_597 = arith.addf %add3A_583, %gather3A_596 : vector<16xf32>
    %xor3A_598 = arith.constant 1 : i32
    %xor3A_599 = vector.broadcast %xor3A_598 : i32 to vector<16xi32>
    %xor3A_600 = arith.xori %iota3A, %xor3A_599 : vector<16xi32>
    %lt3A_601 = arith.constant 0 : i32
    %lt3A_602 = vector.broadcast %lt3A_601 : i32 to vector<16xi32>
    %lt3A_603 = arith.cmpi slt, %xor3A_600, %lt3A_602 : vector<16xi32>
    %add3A_604 = arith.constant 16 : i32
    %add3A_605 = vector.broadcast %add3A_604 : i32 to vector<16xi32>
    %add3A_606 = arith.addi %xor3A_600, %add3A_605 : vector<16xi32>
    %select_n3A_607 = arith.select %lt3A_603, %add3A_606, %xor3A_600 : vector<16xi1>, vector<16xi32>
    %broadcast_in_dim3A_608 = vector.shape_cast %select_n3A_607 : vector<16xi32> to vector<16x1xi32>
    %gather3A_609 = vector.shape_cast %broadcast_in_dim3A_608 : vector<16x1xi32> to vector<16xi32>
    %gather3A_610 = tpu.dynamic_gather %add3A_597[%gather3A_609] in [0] : vector<16xf32>, vector<16xi32> -> vector<16xf32>
    %add3A_611 = arith.addf %add3A_597, %gather3A_610 : vector<16xf32>
    %select_n3A_612 = arith.select %eq3A_555, %add3A_611, %select_n3A_552 : vector<16xi1>, vector<16xf32>
    %eq3A_613 = arith.constant 5 : i32
    %eq3A_614 = vector.broadcast %eq3A_613 : i32 to vector<16xi32>
    %eq3A_615 = arith.cmpi eq, %iota3A, %eq3A_614 : vector<16xi32>
    %xor3A_616 = arith.constant 8 : i32
    %xor3A_617 = vector.broadcast %xor3A_616 : i32 to vector<16xi32>
    %xor3A_618 = arith.xori %iota3A, %xor3A_617 : vector<16xi32>
    %lt3A_619 = arith.constant 0 : i32
    %lt3A_620 = vector.broadcast %lt3A_619 : i32 to vector<16xi32>
    %lt3A_621 = arith.cmpi slt, %xor3A_618, %lt3A_620 : vector<16xi32>
    %add3A_622 = arith.constant 16 : i32
    %add3A_623 = vector.broadcast %add3A_622 : i32 to vector<16xi32>
    %add3A_624 = arith.addi %xor3A_618, %add3A_623 : vector<16xi32>
    %select_n3A_625 = arith.select %lt3A_621, %add3A_624, %xor3A_618 : vector<16xi1>, vector<16xi32>
    %broadcast_in_dim3A_626 = vector.shape_cast %select_n3A_625 : vector<16xi32> to vector<16x1xi32>
    %gather3A_627 = vector.shape_cast %broadcast_in_dim3A_626 : vector<16x1xi32> to vector<16xi32>
    %gather3A_628 = tpu.dynamic_gather %scan3A_9#5[%gather3A_627] in [0] : vector<16xf32>, vector<16xi32> -> vector<16xf32>
    %add3A_629 = arith.addf %scan3A_9#5, %gather3A_628 : vector<16xf32>
    %xor3A_630 = arith.constant 4 : i32
    %xor3A_631 = vector.broadcast %xor3A_630 : i32 to vector<16xi32>
    %xor3A_632 = arith.xori %iota3A, %xor3A_631 : vector<16xi32>
    %lt3A_633 = arith.constant 0 : i32
    %lt3A_634 = vector.broadcast %lt3A_633 : i32 to vector<16xi32>
    %lt3A_635 = arith.cmpi slt, %xor3A_632, %lt3A_634 : vector<16xi32>
    %add3A_636 = arith.constant 16 : i32
    %add3A_637 = vector.broadcast %add3A_636 : i32 to vector<16xi32>
    %add3A_638 = arith.addi %xor3A_632, %add3A_637 : vector<16xi32>
    %select_n3A_639 = arith.select %lt3A_635, %add3A_638, %xor3A_632 : vector<16xi1>, vector<16xi32>
    %broadcast_in_dim3A_640 = vector.shape_cast %select_n3A_639 : vector<16xi32> to vector<16x1xi32>
    %gather3A_641 = vector.shape_cast %broadcast_in_dim3A_640 : vector<16x1xi32> to vector<16xi32>
    %gather3A_642 = tpu.dynamic_gather %add3A_629[%gather3A_641] in [0] : vector<16xf32>, vector<16xi32> -> vector<16xf32>
    %add3A_643 = arith.addf %add3A_629, %gather3A_642 : vector<16xf32>
    %xor3A_644 = arith.constant 2 : i32
    %xor3A_645 = vector.broadcast %xor3A_644 : i32 to vector<16xi32>
    %xor3A_646 = arith.xori %iota3A, %xor3A_645 : vector<16xi32>
    %lt3A_647 = arith.constant 0 : i32
    %lt3A_648 = vector.broadcast %lt3A_647 : i32 to vector<16xi32>
    %lt3A_649 = arith.cmpi slt, %xor3A_646, %lt3A_648 : vector<16xi32>
    %add3A_650 = arith.constant 16 : i32
    %add3A_651 = vector.broadcast %add3A_650 : i32 to vector<16xi32>
    %add3A_652 = arith.addi %xor3A_646, %add3A_651 : vector<16xi32>
    %select_n3A_653 = arith.select %lt3A_649, %add3A_652, %xor3A_646 : vector<16xi1>, vector<16xi32>
    %broadcast_in_dim3A_654 = vector.shape_cast %select_n3A_653 : vector<16xi32> to vector<16x1xi32>
    %gather3A_655 = vector.shape_cast %broadcast_in_dim3A_654 : vector<16x1xi32> to vector<16xi32>
    %gather3A_656 = tpu.dynamic_gather %add3A_643[%gather3A_655] in [0] : vector<16xf32>, vector<16xi32> -> vector<16xf32>
    %add3A_657 = arith.addf %add3A_643, %gather3A_656 : vector<16xf32>
    %xor3A_658 = arith.constant 1 : i32
    %xor3A_659 = vector.broadcast %xor3A_658 : i32 to vector<16xi32>
    %xor3A_660 = arith.xori %iota3A, %xor3A_659 : vector<16xi32>
    %lt3A_661 = arith.constant 0 : i32
    %lt3A_662 = vector.broadcast %lt3A_661 : i32 to vector<16xi32>
    %lt3A_663 = arith.cmpi slt, %xor3A_660, %lt3A_662 : vector<16xi32>
    %add3A_664 = arith.constant 16 : i32
    %add3A_665 = vector.broadcast %add3A_664 : i32 to vector<16xi32>
    %add3A_666 = arith.addi %xor3A_660, %add3A_665 : vector<16xi32>
    %select_n3A_667 = arith.select %lt3A_663, %add3A_666, %xor3A_660 : vector<16xi1>, vector<16xi32>
    %broadcast_in_dim3A_668 = vector.shape_cast %select_n3A_667 : vector<16xi32> to vector<16x1xi32>
    %gather3A_669 = vector.shape_cast %broadcast_in_dim3A_668 : vector<16x1xi32> to vector<16xi32>
    %gather3A_670 = tpu.dynamic_gather %add3A_657[%gather3A_669] in [0] : vector<16xf32>, vector<16xi32> -> vector<16xf32>
    %add3A_671 = arith.addf %add3A_657, %gather3A_670 : vector<16xf32>
    %select_n3A_672 = arith.select %eq3A_615, %add3A_671, %select_n3A_612 : vector<16xi1>, vector<16xf32>
    %eq3A_673 = arith.constant 13 : i32
    %eq3A_674 = vector.broadcast %eq3A_673 : i32 to vector<16xi32>
    %eq3A_675 = arith.cmpi eq, %iota3A, %eq3A_674 : vector<16xi32>
    %xor3A_676 = arith.constant 8 : i32
    %xor3A_677 = vector.broadcast %xor3A_676 : i32 to vector<16xi32>
    %xor3A_678 = arith.xori %iota3A, %xor3A_677 : vector<16xi32>
    %lt3A_679 = arith.constant 0 : i32
    %lt3A_680 = vector.broadcast %lt3A_679 : i32 to vector<16xi32>
    %lt3A_681 = arith.cmpi slt, %xor3A_678, %lt3A_680 : vector<16xi32>
    %add3A_682 = arith.constant 16 : i32
    %add3A_683 = vector.broadcast %add3A_682 : i32 to vector<16xi32>
    %add3A_684 = arith.addi %xor3A_678, %add3A_683 : vector<16xi32>
    %select_n3A_685 = arith.select %lt3A_681, %add3A_684, %xor3A_678 : vector<16xi1>, vector<16xi32>
    %broadcast_in_dim3A_686 = vector.shape_cast %select_n3A_685 : vector<16xi32> to vector<16x1xi32>
    %gather3A_687 = vector.shape_cast %broadcast_in_dim3A_686 : vector<16x1xi32> to vector<16xi32>
    %gather3A_688 = tpu.dynamic_gather %scan3A_9#13[%gather3A_687] in [0] : vector<16xf32>, vector<16xi32> -> vector<16xf32>
    %add3A_689 = arith.addf %scan3A_9#13, %gather3A_688 : vector<16xf32>
    %xor3A_690 = arith.constant 4 : i32
    %xor3A_691 = vector.broadcast %xor3A_690 : i32 to vector<16xi32>
    %xor3A_692 = arith.xori %iota3A, %xor3A_691 : vector<16xi32>
    %lt3A_693 = arith.constant 0 : i32
    %lt3A_694 = vector.broadcast %lt3A_693 : i32 to vector<16xi32>
    %lt3A_695 = arith.cmpi slt, %xor3A_692, %lt3A_694 : vector<16xi32>
    %add3A_696 = arith.constant 16 : i32
    %add3A_697 = vector.broadcast %add3A_696 : i32 to vector<16xi32>
    %add3A_698 = arith.addi %xor3A_692, %add3A_697 : vector<16xi32>
    %select_n3A_699 = arith.select %lt3A_695, %add3A_698, %xor3A_692 : vector<16xi1>, vector<16xi32>
    %broadcast_in_dim3A_700 = vector.shape_cast %select_n3A_699 : vector<16xi32> to vector<16x1xi32>
    %gather3A_701 = vector.shape_cast %broadcast_in_dim3A_700 : vector<16x1xi32> to vector<16xi32>
    %gather3A_702 = tpu.dynamic_gather %add3A_689[%gather3A_701] in [0] : vector<16xf32>, vector<16xi32> -> vector<16xf32>
    %add3A_703 = arith.addf %add3A_689, %gather3A_702 : vector<16xf32>
    %xor3A_704 = arith.constant 2 : i32
    %xor3A_705 = vector.broadcast %xor3A_704 : i32 to vector<16xi32>
    %xor3A_706 = arith.xori %iota3A, %xor3A_705 : vector<16xi32>
    %lt3A_707 = arith.constant 0 : i32
    %lt3A_708 = vector.broadcast %lt3A_707 : i32 to vector<16xi32>
    %lt3A_709 = arith.cmpi slt, %xor3A_706, %lt3A_708 : vector<16xi32>
    %add3A_710 = arith.constant 16 : i32
    %add3A_711 = vector.broadcast %add3A_710 : i32 to vector<16xi32>
    %add3A_712 = arith.addi %xor3A_706, %add3A_711 : vector<16xi32>
    %select_n3A_713 = arith.select %lt3A_709, %add3A_712, %xor3A_706 : vector<16xi1>, vector<16xi32>
    %broadcast_in_dim3A_714 = vector.shape_cast %select_n3A_713 : vector<16xi32> to vector<16x1xi32>
    %gather3A_715 = vector.shape_cast %broadcast_in_dim3A_714 : vector<16x1xi32> to vector<16xi32>
    %gather3A_716 = tpu.dynamic_gather %add3A_703[%gather3A_715] in [0] : vector<16xf32>, vector<16xi32> -> vector<16xf32>
    %add3A_717 = arith.addf %add3A_703, %gather3A_716 : vector<16xf32>
    %xor3A_718 = arith.constant 1 : i32
    %xor3A_719 = vector.broadcast %xor3A_718 : i32 to vector<16xi32>
    %xor3A_720 = arith.xori %iota3A, %xor3A_719 : vector<16xi32>
    %lt3A_721 = arith.constant 0 : i32
    %lt3A_722 = vector.broadcast %lt3A_721 : i32 to vector<16xi32>
    %lt3A_723 = arith.cmpi slt, %xor3A_720, %lt3A_722 : vector<16xi32>
    %add3A_724 = arith.constant 16 : i32
    %add3A_725 = vector.broadcast %add3A_724 : i32 to vector<16xi32>
    %add3A_726 = arith.addi %xor3A_720, %add3A_725 : vector<16xi32>
    %select_n3A_727 = arith.select %lt3A_723, %add3A_726, %xor3A_720 : vector<16xi1>, vector<16xi32>
    %broadcast_in_dim3A_728 = vector.shape_cast %select_n3A_727 : vector<16xi32> to vector<16x1xi32>
    %gather3A_729 = vector.shape_cast %broadcast_in_dim3A_728 : vector<16x1xi32> to vector<16xi32>
    %gather3A_730 = tpu.dynamic_gather %add3A_717[%gather3A_729] in [0] : vector<16xf32>, vector<16xi32> -> vector<16xf32>
    %add3A_731 = arith.addf %add3A_717, %gather3A_730 : vector<16xf32>
    %select_n3A_732 = arith.select %eq3A_675, %add3A_731, %select_n3A_672 : vector<16xi1>, vector<16xf32>
    %eq3A_733 = arith.constant 6 : i32
    %eq3A_734 = vector.broadcast %eq3A_733 : i32 to vector<16xi32>
    %eq3A_735 = arith.cmpi eq, %iota3A, %eq3A_734 : vector<16xi32>
    %xor3A_736 = arith.constant 8 : i32
    %xor3A_737 = vector.broadcast %xor3A_736 : i32 to vector<16xi32>
    %xor3A_738 = arith.xori %iota3A, %xor3A_737 : vector<16xi32>
    %lt3A_739 = arith.constant 0 : i32
    %lt3A_740 = vector.broadcast %lt3A_739 : i32 to vector<16xi32>
    %lt3A_741 = arith.cmpi slt, %xor3A_738, %lt3A_740 : vector<16xi32>
    %add3A_742 = arith.constant 16 : i32
    %add3A_743 = vector.broadcast %add3A_742 : i32 to vector<16xi32>
    %add3A_744 = arith.addi %xor3A_738, %add3A_743 : vector<16xi32>
    %select_n3A_745 = arith.select %lt3A_741, %add3A_744, %xor3A_738 : vector<16xi1>, vector<16xi32>
    %broadcast_in_dim3A_746 = vector.shape_cast %select_n3A_745 : vector<16xi32> to vector<16x1xi32>
    %gather3A_747 = vector.shape_cast %broadcast_in_dim3A_746 : vector<16x1xi32> to vector<16xi32>
    %gather3A_748 = tpu.dynamic_gather %scan3A_9#6[%gather3A_747] in [0] : vector<16xf32>, vector<16xi32> -> vector<16xf32>
    %add3A_749 = arith.addf %scan3A_9#6, %gather3A_748 : vector<16xf32>
    %xor3A_750 = arith.constant 4 : i32
    %xor3A_751 = vector.broadcast %xor3A_750 : i32 to vector<16xi32>
    %xor3A_752 = arith.xori %iota3A, %xor3A_751 : vector<16xi32>
    %lt3A_753 = arith.constant 0 : i32
    %lt3A_754 = vector.broadcast %lt3A_753 : i32 to vector<16xi32>
    %lt3A_755 = arith.cmpi slt, %xor3A_752, %lt3A_754 : vector<16xi32>
    %add3A_756 = arith.constant 16 : i32
    %add3A_757 = vector.broadcast %add3A_756 : i32 to vector<16xi32>
    %add3A_758 = arith.addi %xor3A_752, %add3A_757 : vector<16xi32>
    %select_n3A_759 = arith.select %lt3A_755, %add3A_758, %xor3A_752 : vector<16xi1>, vector<16xi32>
    %broadcast_in_dim3A_760 = vector.shape_cast %select_n3A_759 : vector<16xi32> to vector<16x1xi32>
    %gather3A_761 = vector.shape_cast %broadcast_in_dim3A_760 : vector<16x1xi32> to vector<16xi32>
    %gather3A_762 = tpu.dynamic_gather %add3A_749[%gather3A_761] in [0] : vector<16xf32>, vector<16xi32> -> vector<16xf32>
    %add3A_763 = arith.addf %add3A_749, %gather3A_762 : vector<16xf32>
    %xor3A_764 = arith.constant 2 : i32
    %xor3A_765 = vector.broadcast %xor3A_764 : i32 to vector<16xi32>
    %xor3A_766 = arith.xori %iota3A, %xor3A_765 : vector<16xi32>
    %lt3A_767 = arith.constant 0 : i32
    %lt3A_768 = vector.broadcast %lt3A_767 : i32 to vector<16xi32>
    %lt3A_769 = arith.cmpi slt, %xor3A_766, %lt3A_768 : vector<16xi32>
    %add3A_770 = arith.constant 16 : i32
    %add3A_771 = vector.broadcast %add3A_770 : i32 to vector<16xi32>
    %add3A_772 = arith.addi %xor3A_766, %add3A_771 : vector<16xi32>
    %select_n3A_773 = arith.select %lt3A_769, %add3A_772, %xor3A_766 : vector<16xi1>, vector<16xi32>
    %broadcast_in_dim3A_774 = vector.shape_cast %select_n3A_773 : vector<16xi32> to vector<16x1xi32>
    %gather3A_775 = vector.shape_cast %broadcast_in_dim3A_774 : vector<16x1xi32> to vector<16xi32>
    %gather3A_776 = tpu.dynamic_gather %add3A_763[%gather3A_775] in [0] : vector<16xf32>, vector<16xi32> -> vector<16xf32>
    %add3A_777 = arith.addf %add3A_763, %gather3A_776 : vector<16xf32>
    %xor3A_778 = arith.constant 1 : i32
    %xor3A_779 = vector.broadcast %xor3A_778 : i32 to vector<16xi32>
    %xor3A_780 = arith.xori %iota3A, %xor3A_779 : vector<16xi32>
    %lt3A_781 = arith.constant 0 : i32
    %lt3A_782 = vector.broadcast %lt3A_781 : i32 to vector<16xi32>
    %lt3A_783 = arith.cmpi slt, %xor3A_780, %lt3A_782 : vector<16xi32>
    %add3A_784 = arith.constant 16 : i32
    %add3A_785 = vector.broadcast %add3A_784 : i32 to vector<16xi32>
    %add3A_786 = arith.addi %xor3A_780, %add3A_785 : vector<16xi32>
    %select_n3A_787 = arith.select %lt3A_783, %add3A_786, %xor3A_780 : vector<16xi1>, vector<16xi32>
    %broadcast_in_dim3A_788 = vector.shape_cast %select_n3A_787 : vector<16xi32> to vector<16x1xi32>
    %gather3A_789 = vector.shape_cast %broadcast_in_dim3A_788 : vector<16x1xi32> to vector<16xi32>
    %gather3A_790 = tpu.dynamic_gather %add3A_777[%gather3A_789] in [0] : vector<16xf32>, vector<16xi32> -> vector<16xf32>
    %add3A_791 = arith.addf %add3A_777, %gather3A_790 : vector<16xf32>
    %select_n3A_792 = arith.select %eq3A_735, %add3A_791, %select_n3A_732 : vector<16xi1>, vector<16xf32>
    %eq3A_793 = arith.constant 14 : i32
    %eq3A_794 = vector.broadcast %eq3A_793 : i32 to vector<16xi32>
    %eq3A_795 = arith.cmpi eq, %iota3A, %eq3A_794 : vector<16xi32>
    %xor3A_796 = arith.constant 8 : i32
    %xor3A_797 = vector.broadcast %xor3A_796 : i32 to vector<16xi32>
    %xor3A_798 = arith.xori %iota3A, %xor3A_797 : vector<16xi32>
    %lt3A_799 = arith.constant 0 : i32
    %lt3A_800 = vector.broadcast %lt3A_799 : i32 to vector<16xi32>
    %lt3A_801 = arith.cmpi slt, %xor3A_798, %lt3A_800 : vector<16xi32>
    %add3A_802 = arith.constant 16 : i32
    %add3A_803 = vector.broadcast %add3A_802 : i32 to vector<16xi32>
    %add3A_804 = arith.addi %xor3A_798, %add3A_803 : vector<16xi32>
    %select_n3A_805 = arith.select %lt3A_801, %add3A_804, %xor3A_798 : vector<16xi1>, vector<16xi32>
    %broadcast_in_dim3A_806 = vector.shape_cast %select_n3A_805 : vector<16xi32> to vector<16x1xi32>
    %gather3A_807 = vector.shape_cast %broadcast_in_dim3A_806 : vector<16x1xi32> to vector<16xi32>
    %gather3A_808 = tpu.dynamic_gather %scan3A_9#14[%gather3A_807] in [0] : vector<16xf32>, vector<16xi32> -> vector<16xf32>
    %add3A_809 = arith.addf %scan3A_9#14, %gather3A_808 : vector<16xf32>
    %xor3A_810 = arith.constant 4 : i32
    %xor3A_811 = vector.broadcast %xor3A_810 : i32 to vector<16xi32>
    %xor3A_812 = arith.xori %iota3A, %xor3A_811 : vector<16xi32>
    %lt3A_813 = arith.constant 0 : i32
    %lt3A_814 = vector.broadcast %lt3A_813 : i32 to vector<16xi32>
    %lt3A_815 = arith.cmpi slt, %xor3A_812, %lt3A_814 : vector<16xi32>
    %add3A_816 = arith.constant 16 : i32
    %add3A_817 = vector.broadcast %add3A_816 : i32 to vector<16xi32>
    %add3A_818 = arith.addi %xor3A_812, %add3A_817 : vector<16xi32>
    %select_n3A_819 = arith.select %lt3A_815, %add3A_818, %xor3A_812 : vector<16xi1>, vector<16xi32>
    %broadcast_in_dim3A_820 = vector.shape_cast %select_n3A_819 : vector<16xi32> to vector<16x1xi32>
    %gather3A_821 = vector.shape_cast %broadcast_in_dim3A_820 : vector<16x1xi32> to vector<16xi32>
    %gather3A_822 = tpu.dynamic_gather %add3A_809[%gather3A_821] in [0] : vector<16xf32>, vector<16xi32> -> vector<16xf32>
    %add3A_823 = arith.addf %add3A_809, %gather3A_822 : vector<16xf32>
    %xor3A_824 = arith.constant 2 : i32
    %xor3A_825 = vector.broadcast %xor3A_824 : i32 to vector<16xi32>
    %xor3A_826 = arith.xori %iota3A, %xor3A_825 : vector<16xi32>
    %lt3A_827 = arith.constant 0 : i32
    %lt3A_828 = vector.broadcast %lt3A_827 : i32 to vector<16xi32>
    %lt3A_829 = arith.cmpi slt, %xor3A_826, %lt3A_828 : vector<16xi32>
    %add3A_830 = arith.constant 16 : i32
    %add3A_831 = vector.broadcast %add3A_830 : i32 to vector<16xi32>
    %add3A_832 = arith.addi %xor3A_826, %add3A_831 : vector<16xi32>
    %select_n3A_833 = arith.select %lt3A_829, %add3A_832, %xor3A_826 : vector<16xi1>, vector<16xi32>
    %broadcast_in_dim3A_834 = vector.shape_cast %select_n3A_833 : vector<16xi32> to vector<16x1xi32>
    %gather3A_835 = vector.shape_cast %broadcast_in_dim3A_834 : vector<16x1xi32> to vector<16xi32>
    %gather3A_836 = tpu.dynamic_gather %add3A_823[%gather3A_835] in [0] : vector<16xf32>, vector<16xi32> -> vector<16xf32>
    %add3A_837 = arith.addf %add3A_823, %gather3A_836 : vector<16xf32>
    %xor3A_838 = arith.constant 1 : i32
    %xor3A_839 = vector.broadcast %xor3A_838 : i32 to vector<16xi32>
    %xor3A_840 = arith.xori %iota3A, %xor3A_839 : vector<16xi32>
    %lt3A_841 = arith.constant 0 : i32
    %lt3A_842 = vector.broadcast %lt3A_841 : i32 to vector<16xi32>
    %lt3A_843 = arith.cmpi slt, %xor3A_840, %lt3A_842 : vector<16xi32>
    %add3A_844 = arith.constant 16 : i32
    %add3A_845 = vector.broadcast %add3A_844 : i32 to vector<16xi32>
    %add3A_846 = arith.addi %xor3A_840, %add3A_845 : vector<16xi32>
    %select_n3A_847 = arith.select %lt3A_843, %add3A_846, %xor3A_840 : vector<16xi1>, vector<16xi32>
    %broadcast_in_dim3A_848 = vector.shape_cast %select_n3A_847 : vector<16xi32> to vector<16x1xi32>
    %gather3A_849 = vector.shape_cast %broadcast_in_dim3A_848 : vector<16x1xi32> to vector<16xi32>
    %gather3A_850 = tpu.dynamic_gather %add3A_837[%gather3A_849] in [0] : vector<16xf32>, vector<16xi32> -> vector<16xf32>
    %add3A_851 = arith.addf %add3A_837, %gather3A_850 : vector<16xf32>
    %select_n3A_852 = arith.select %eq3A_795, %add3A_851, %select_n3A_792 : vector<16xi1>, vector<16xf32>
    %eq3A_853 = arith.constant 7 : i32
    %eq3A_854 = vector.broadcast %eq3A_853 : i32 to vector<16xi32>
    %eq3A_855 = arith.cmpi eq, %iota3A, %eq3A_854 : vector<16xi32>
    %xor3A_856 = arith.constant 8 : i32
    %xor3A_857 = vector.broadcast %xor3A_856 : i32 to vector<16xi32>
    %xor3A_858 = arith.xori %iota3A, %xor3A_857 : vector<16xi32>
    %lt3A_859 = arith.constant 0 : i32
    %lt3A_860 = vector.broadcast %lt3A_859 : i32 to vector<16xi32>
    %lt3A_861 = arith.cmpi slt, %xor3A_858, %lt3A_860 : vector<16xi32>
    %add3A_862 = arith.constant 16 : i32
    %add3A_863 = vector.broadcast %add3A_862 : i32 to vector<16xi32>
    %add3A_864 = arith.addi %xor3A_858, %add3A_863 : vector<16xi32>
    %select_n3A_865 = arith.select %lt3A_861, %add3A_864, %xor3A_858 : vector<16xi1>, vector<16xi32>
    %broadcast_in_dim3A_866 = vector.shape_cast %select_n3A_865 : vector<16xi32> to vector<16x1xi32>
    %gather3A_867 = vector.shape_cast %broadcast_in_dim3A_866 : vector<16x1xi32> to vector<16xi32>
    %gather3A_868 = tpu.dynamic_gather %scan3A_9#7[%gather3A_867] in [0] : vector<16xf32>, vector<16xi32> -> vector<16xf32>
    %add3A_869 = arith.addf %scan3A_9#7, %gather3A_868 : vector<16xf32>
    %xor3A_870 = arith.constant 4 : i32
    %xor3A_871 = vector.broadcast %xor3A_870 : i32 to vector<16xi32>
    %xor3A_872 = arith.xori %iota3A, %xor3A_871 : vector<16xi32>
    %lt3A_873 = arith.constant 0 : i32
    %lt3A_874 = vector.broadcast %lt3A_873 : i32 to vector<16xi32>
    %lt3A_875 = arith.cmpi slt, %xor3A_872, %lt3A_874 : vector<16xi32>
    %add3A_876 = arith.constant 16 : i32
    %add3A_877 = vector.broadcast %add3A_876 : i32 to vector<16xi32>
    %add3A_878 = arith.addi %xor3A_872, %add3A_877 : vector<16xi32>
    %select_n3A_879 = arith.select %lt3A_875, %add3A_878, %xor3A_872 : vector<16xi1>, vector<16xi32>
    %broadcast_in_dim3A_880 = vector.shape_cast %select_n3A_879 : vector<16xi32> to vector<16x1xi32>
    %gather3A_881 = vector.shape_cast %broadcast_in_dim3A_880 : vector<16x1xi32> to vector<16xi32>
    %gather3A_882 = tpu.dynamic_gather %add3A_869[%gather3A_881] in [0] : vector<16xf32>, vector<16xi32> -> vector<16xf32>
    %add3A_883 = arith.addf %add3A_869, %gather3A_882 : vector<16xf32>
    %xor3A_884 = arith.constant 2 : i32
    %xor3A_885 = vector.broadcast %xor3A_884 : i32 to vector<16xi32>
    %xor3A_886 = arith.xori %iota3A, %xor3A_885 : vector<16xi32>
    %lt3A_887 = arith.constant 0 : i32
    %lt3A_888 = vector.broadcast %lt3A_887 : i32 to vector<16xi32>
    %lt3A_889 = arith.cmpi slt, %xor3A_886, %lt3A_888 : vector<16xi32>
    %add3A_890 = arith.constant 16 : i32
    %add3A_891 = vector.broadcast %add3A_890 : i32 to vector<16xi32>
    %add3A_892 = arith.addi %xor3A_886, %add3A_891 : vector<16xi32>
    %select_n3A_893 = arith.select %lt3A_889, %add3A_892, %xor3A_886 : vector<16xi1>, vector<16xi32>
    %broadcast_in_dim3A_894 = vector.shape_cast %select_n3A_893 : vector<16xi32> to vector<16x1xi32>
    %gather3A_895 = vector.shape_cast %broadcast_in_dim3A_894 : vector<16x1xi32> to vector<16xi32>
    %gather3A_896 = tpu.dynamic_gather %add3A_883[%gather3A_895] in [0] : vector<16xf32>, vector<16xi32> -> vector<16xf32>
    %add3A_897 = arith.addf %add3A_883, %gather3A_896 : vector<16xf32>
    %xor3A_898 = arith.constant 1 : i32
    %xor3A_899 = vector.broadcast %xor3A_898 : i32 to vector<16xi32>
    %xor3A_900 = arith.xori %iota3A, %xor3A_899 : vector<16xi32>
    %lt3A_901 = arith.constant 0 : i32
    %lt3A_902 = vector.broadcast %lt3A_901 : i32 to vector<16xi32>
    %lt3A_903 = arith.cmpi slt, %xor3A_900, %lt3A_902 : vector<16xi32>
    %add3A_904 = arith.constant 16 : i32
    %add3A_905 = vector.broadcast %add3A_904 : i32 to vector<16xi32>
    %add3A_906 = arith.addi %xor3A_900, %add3A_905 : vector<16xi32>
    %select_n3A_907 = arith.select %lt3A_903, %add3A_906, %xor3A_900 : vector<16xi1>, vector<16xi32>
    %broadcast_in_dim3A_908 = vector.shape_cast %select_n3A_907 : vector<16xi32> to vector<16x1xi32>
    %gather3A_909 = vector.shape_cast %broadcast_in_dim3A_908 : vector<16x1xi32> to vector<16xi32>
    %gather3A_910 = tpu.dynamic_gather %add3A_897[%gather3A_909] in [0] : vector<16xf32>, vector<16xi32> -> vector<16xf32>
    %add3A_911 = arith.addf %add3A_897, %gather3A_910 : vector<16xf32>
    %select_n3A_912 = arith.select %eq3A_855, %add3A_911, %select_n3A_852 : vector<16xi1>, vector<16xf32>
    %eq3A_913 = arith.constant 15 : i32
    %eq3A_914 = vector.broadcast %eq3A_913 : i32 to vector<16xi32>
    %eq3A_915 = arith.cmpi eq, %iota3A, %eq3A_914 : vector<16xi32>
    %xor3A_916 = arith.constant 8 : i32
    %xor3A_917 = vector.broadcast %xor3A_916 : i32 to vector<16xi32>
    %xor3A_918 = arith.xori %iota3A, %xor3A_917 : vector<16xi32>
    %lt3A_919 = arith.constant 0 : i32
    %lt3A_920 = vector.broadcast %lt3A_919 : i32 to vector<16xi32>
    %lt3A_921 = arith.cmpi slt, %xor3A_918, %lt3A_920 : vector<16xi32>
    %add3A_922 = arith.constant 16 : i32
    %add3A_923 = vector.broadcast %add3A_922 : i32 to vector<16xi32>
    %add3A_924 = arith.addi %xor3A_918, %add3A_923 : vector<16xi32>
    %select_n3A_925 = arith.select %lt3A_921, %add3A_924, %xor3A_918 : vector<16xi1>, vector<16xi32>
    %broadcast_in_dim3A_926 = vector.shape_cast %select_n3A_925 : vector<16xi32> to vector<16x1xi32>
    %gather3A_927 = vector.shape_cast %broadcast_in_dim3A_926 : vector<16x1xi32> to vector<16xi32>
    %gather3A_928 = tpu.dynamic_gather %scan3A_9#15[%gather3A_927] in [0] : vector<16xf32>, vector<16xi32> -> vector<16xf32>
    %add3A_929 = arith.addf %scan3A_9#15, %gather3A_928 : vector<16xf32>
    %xor3A_930 = arith.constant 4 : i32
    %xor3A_931 = vector.broadcast %xor3A_930 : i32 to vector<16xi32>
    %xor3A_932 = arith.xori %iota3A, %xor3A_931 : vector<16xi32>
    %lt3A_933 = arith.constant 0 : i32
    %lt3A_934 = vector.broadcast %lt3A_933 : i32 to vector<16xi32>
    %lt3A_935 = arith.cmpi slt, %xor3A_932, %lt3A_934 : vector<16xi32>
    %add3A_936 = arith.constant 16 : i32
    %add3A_937 = vector.broadcast %add3A_936 : i32 to vector<16xi32>
    %add3A_938 = arith.addi %xor3A_932, %add3A_937 : vector<16xi32>
    %select_n3A_939 = arith.select %lt3A_935, %add3A_938, %xor3A_932 : vector<16xi1>, vector<16xi32>
    %broadcast_in_dim3A_940 = vector.shape_cast %select_n3A_939 : vector<16xi32> to vector<16x1xi32>
    %gather3A_941 = vector.shape_cast %broadcast_in_dim3A_940 : vector<16x1xi32> to vector<16xi32>
    %gather3A_942 = tpu.dynamic_gather %add3A_929[%gather3A_941] in [0] : vector<16xf32>, vector<16xi32> -> vector<16xf32>
    %add3A_943 = arith.addf %add3A_929, %gather3A_942 : vector<16xf32>
    %xor3A_944 = arith.constant 2 : i32
    %xor3A_945 = vector.broadcast %xor3A_944 : i32 to vector<16xi32>
    %xor3A_946 = arith.xori %iota3A, %xor3A_945 : vector<16xi32>
    %lt3A_947 = arith.constant 0 : i32
    %lt3A_948 = vector.broadcast %lt3A_947 : i32 to vector<16xi32>
    %lt3A_949 = arith.cmpi slt, %xor3A_946, %lt3A_948 : vector<16xi32>
    %add3A_950 = arith.constant 16 : i32
    %add3A_951 = vector.broadcast %add3A_950 : i32 to vector<16xi32>
    %add3A_952 = arith.addi %xor3A_946, %add3A_951 : vector<16xi32>
    %select_n3A_953 = arith.select %lt3A_949, %add3A_952, %xor3A_946 : vector<16xi1>, vector<16xi32>
    %broadcast_in_dim3A_954 = vector.shape_cast %select_n3A_953 : vector<16xi32> to vector<16x1xi32>
    %gather3A_955 = vector.shape_cast %broadcast_in_dim3A_954 : vector<16x1xi32> to vector<16xi32>
    %gather3A_956 = tpu.dynamic_gather %add3A_943[%gather3A_955] in [0] : vector<16xf32>, vector<16xi32> -> vector<16xf32>
    %add3A_957 = arith.addf %add3A_943, %gather3A_956 : vector<16xf32>
    %xor3A_958 = arith.constant 1 : i32
    %xor3A_959 = vector.broadcast %xor3A_958 : i32 to vector<16xi32>
    %xor3A_960 = arith.xori %iota3A, %xor3A_959 : vector<16xi32>
    %lt3A_961 = arith.constant 0 : i32
    %lt3A_962 = vector.broadcast %lt3A_961 : i32 to vector<16xi32>
    %lt3A_963 = arith.cmpi slt, %xor3A_960, %lt3A_962 : vector<16xi32>
    %add3A_964 = arith.constant 16 : i32
    %add3A_965 = vector.broadcast %add3A_964 : i32 to vector<16xi32>
    %add3A_966 = arith.addi %xor3A_960, %add3A_965 : vector<16xi32>
    %select_n3A_967 = arith.select %lt3A_963, %add3A_966, %xor3A_960 : vector<16xi1>, vector<16xi32>
    %broadcast_in_dim3A_968 = vector.shape_cast %select_n3A_967 : vector<16xi32> to vector<16x1xi32>
    %gather3A_969 = vector.shape_cast %broadcast_in_dim3A_968 : vector<16x1xi32> to vector<16xi32>
    %gather3A_970 = tpu.dynamic_gather %add3A_957[%gather3A_969] in [0] : vector<16xf32>, vector<16xi32> -> vector<16xf32>
    %add3A_971 = arith.addf %add3A_957, %gather3A_970 : vector<16xf32>
    %select_n3A_972 = arith.select %eq3A_915, %add3A_971, %select_n3A_912 : vector<16xi1>, vector<16xf32>
    %swap3A = arith.constant 0 : index
    %swap3A_973 = tpu.vector_load %arg11[%swap3A] {strides = array<i32>} : memref<16xf32, #tpu.memory_space<vmem>>, vector<16xf32>,
    tpu.vector_store %arg11[%swap3A], %select_n3A_972 {strides = array<i32>} : memref<16xf32, #tpu.memory_space<vmem>>, vector<16xf32>,
    %mul3A_974 = arith.constant 16 : i32
    %mul3A_975 = arith.muli %arg1, %mul3A_974 : i32
    "tpu.region"() ({
      %run_scoped3A = tpu.sem_alloc : memref<!tpu.dma_semaphore, #tpu.memory_space<semaphore_mem>>
      %dma_start3A_984 = tpu.memref_slice %arg13[%mul3A_975] : memref<256xf32, #tpu.memory_space<vmem_shared>> -> memref<16xf32, #tpu.memory_space<vmem_shared>>
      %dma_start3A_985 = tpu.memref_slice %arg13[%mul3A_975] : memref<256xf32, #tpu.memory_space<vmem_shared>> -> memref<16xf32, #tpu.memory_space<vmem_shared>>
      tpu.enqueue_dma source(%arg11 : memref<16xf32, #tpu.memory_space<vmem>>) target(%dma_start3A_985 : memref<16xf32, #tpu.memory_space<vmem_shared>>) target_semaphore(%run_scoped3A : memref<!tpu.dma_semaphore, #tpu.memory_space<semaphore_mem>>)
      %dma_wait3A_986 = tpu.memref_slice %arg13[%mul3A_975] : memref<256xf32, #tpu.memory_space<vmem_shared>> -> memref<16xf32, #tpu.memory_space<vmem_shared>>
      %dma_wait3A_987 = tpu.memref_slice %arg13[%mul3A_975] : memref<256xf32, #tpu.memory_space<vmem_shared>> -> memref<16xf32, #tpu.memory_space<vmem_shared>>
      tpu.wait_dma2 semaphore(%run_scoped3A : memref<!tpu.dma_semaphore, #tpu.memory_space<semaphore_mem>>) src(%arg11 : memref<16xf32, #tpu.memory_space<vmem>>) dst(%dma_wait3A_987 : memref<16xf32, #tpu.memory_space<vmem_shared>>)
      tpu.yield
    }) : () -> ()
    %barrier3A = arith.constant 0 : index
    tpu.barrier barrier_id(%barrier3A)
    %eq3A_976 = arith.constant 0 : i32
    %eq3A_977 = arith.cmpi eq, %arg1, %eq3A_976 : i32
    %convert_element_type3A = arith.extui %eq3A_977 : i1 to i32
    %cond3A = arith.constant 0 : i32
    %cond3A_978 = arith.cmpi ne, %convert_element_type3A, %cond3A : i32
    scf.if %cond3A_978 {
      "tpu.region"() ({
        %run_scoped3A = tpu.sem_alloc : memref<!tpu.dma_semaphore, #tpu.memory_space<semaphore_mem>>
        tpu.enqueue_dma source(%arg13 : memref<256xf32, #tpu.memory_space<vmem_shared>>) target(%arg12 : memref<256xf32, #tpu.memory_space<vmem>>) target_semaphore(%run_scoped3A : memref<!tpu.dma_semaphore, #tpu.memory_space<semaphore_mem>>)
        tpu.wait_dma2 semaphore(%run_scoped3A : memref<!tpu.dma_semaphore, #tpu.memory_space<semaphore_mem>>) src(%arg13 : memref<256xf32, #tpu.memory_space<vmem_shared>>) dst(%arg12 : memref<256xf32, #tpu.memory_space<vmem>>)
        tpu.yield
      }) : () -> ()
      %get3A = arith.constant 0 : index
      %get3A_984 = tpu.vector_load %arg12[%get3A] {strides = array<i32>} : memref<256xf32, #tpu.memory_space<vmem>>, vector<16xf32>,
      %add3A_985 = arith.addf %broadcast_in_dim3A_5, %get3A_984 : vector<16xf32>
      %get3A_986 = arith.constant 16 : index
      %get3A_987 = tpu.vector_load %arg12[%get3A_986] {strides = array<i32>} : memref<256xf32, #tpu.memory_space<vmem>>, vector<16xf32>,
      %add3A_988 = arith.addf %add3A_985, %get3A_987 : vector<16xf32>
      %get3A_989 = arith.constant 32 : index
      %get3A_990 = tpu.vector_load %arg12[%get3A_989] {strides = array<i32>} : memref<256xf32, #tpu.memory_space<vmem>>, vector<16xf32>,
      %add3A_991 = arith.addf %add3A_988, %get3A_990 : vector<16xf32>
      %get3A_992 = arith.constant 48 : index
      %get3A_993 = tpu.vector_load %arg12[%get3A_992] {strides = array<i32>} : memref<256xf32, #tpu.memory_space<vmem>>, vector<16xf32>,
      %add3A_994 = arith.addf %add3A_991, %get3A_993 : vector<16xf32>
      %get3A_995 = arith.constant 64 : index
      %get3A_996 = tpu.vector_load %arg12[%get3A_995] {strides = array<i32>} : memref<256xf32, #tpu.memory_space<vmem>>, vector<16xf32>,
      %add3A_997 = arith.addf %add3A_994, %get3A_996 : vector<16xf32>
      %get3A_998 = arith.constant 80 : index
      %get3A_999 = tpu.vector_load %arg12[%get3A_998] {strides = array<i32>} : memref<256xf32, #tpu.memory_space<vmem>>, vector<16xf32>,
      %add3A_1000 = arith.addf %add3A_997, %get3A_999 : vector<16xf32>
      %get3A_1001 = arith.constant 96 : index
      %get3A_1002 = tpu.vector_load %arg12[%get3A_1001] {strides = array<i32>} : memref<256xf32, #tpu.memory_space<vmem>>, vector<16xf32>,
      %add3A_1003 = arith.addf %add3A_1000, %get3A_1002 : vector<16xf32>
      %get3A_1004 = arith.constant 112 : index
      %get3A_1005 = tpu.vector_load %arg12[%get3A_1004] {strides = array<i32>} : memref<256xf32, #tpu.memory_space<vmem>>, vector<16xf32>,
      %add3A_1006 = arith.addf %add3A_1003, %get3A_1005 : vector<16xf32>
      %get3A_1007 = arith.constant 128 : index
      %get3A_1008 = tpu.vector_load %arg12[%get3A_1007] {strides = array<i32>} : memref<256xf32, #tpu.memory_space<vmem>>, vector<16xf32>,
      %add3A_1009 = arith.addf %add3A_1006, %get3A_1008 : vector<16xf32>
      %get3A_1010 = arith.constant 144 : index
      %get3A_1011 = tpu.vector_load %arg12[%get3A_1010] {strides = array<i32>} : memref<256xf32, #tpu.memory_space<vmem>>, vector<16xf32>,
      %add3A_1012 = arith.addf %add3A_1009, %get3A_1011 : vector<16xf32>
      %get3A_1013 = arith.constant 160 : index
      %get3A_1014 = tpu.vector_load %arg12[%get3A_1013] {strides = array<i32>} : memref<256xf32, #tpu.memory_space<vmem>>, vector<16xf32>,
      %add3A_1015 = arith.addf %add3A_1012, %get3A_1014 : vector<16xf32>
      %get3A_1016 = arith.constant 176 : index
      %get3A_1017 = tpu.vector_load %arg12[%get3A_1016] {strides = array<i32>} : memref<256xf32, #tpu.memory_space<vmem>>, vector<16xf32>,
      %add3A_1018 = arith.addf %add3A_1015, %get3A_1017 : vector<16xf32>
      %get3A_1019 = arith.constant 192 : index
      %get3A_1020 = tpu.vector_load %arg12[%get3A_1019] {strides = array<i32>} : memref<256xf32, #tpu.memory_space<vmem>>, vector<16xf32>,
      %add3A_1021 = arith.addf %add3A_1018, %get3A_1020 : vector<16xf32>
      %get3A_1022 = arith.constant 208 : index
      %get3A_1023 = tpu.vector_load %arg12[%get3A_1022] {strides = array<i32>} : memref<256xf32, #tpu.memory_space<vmem>>, vector<16xf32>,
      %add3A_1024 = arith.addf %add3A_1021, %get3A_1023 : vector<16xf32>
      %get3A_1025 = arith.constant 224 : index
      %get3A_1026 = tpu.vector_load %arg12[%get3A_1025] {strides = array<i32>} : memref<256xf32, #tpu.memory_space<vmem>>, vector<16xf32>,
      %add3A_1027 = arith.addf %add3A_1024, %get3A_1026 : vector<16xf32>
      %get3A_1028 = arith.constant 240 : index
      %get3A_1029 = tpu.vector_load %arg12[%get3A_1028] {strides = array<i32>} : memref<256xf32, #tpu.memory_space<vmem>>, vector<16xf32>,
      %add3A_1030 = arith.addf %add3A_1027, %get3A_1029 : vector<16xf32>
      %swap3A_1031 = arith.constant 0 : index
      %swap3A_1032 = tpu.vector_load %arg11[%swap3A_1031] {strides = array<i32>} : memref<16xf32, #tpu.memory_space<vmem>>, vector<16xf32>,
      tpu.vector_store %arg11[%swap3A_1031], %add3A_1030 {strides = array<i32>} : memref<16xf32, #tpu.memory_space<vmem>>, vector<16xf32>,
      "tpu.region"() ({
        %run_scoped3A = tpu.sem_alloc : memref<!tpu.dma_semaphore, #tpu.memory_space<semaphore_mem>>
        %dma_start3A_1033 = arith.constant 0 : i32
        %dma_start3A_1034 = tpu.memref_slice %arg6[%arg0, %dma_start3A_1033] : memref<2x16xf32, #tpu.memory_space<hbm>> -> memref<1x16xf32, #tpu.memory_space<hbm>>
        %dma_start3A_1035 = tpu.memref_squeeze %dma_start3A_1034 : memref<1x16xf32, #tpu.memory_space<hbm>> -> memref<16xf32, #tpu.memory_space<hbm>>
        %dma_start3A_1036 = arith.constant 0 : i32
        %dma_start3A_1037 = tpu.memref_slice %arg6[%arg0, %dma_start3A_1036] : memref<2x16xf32, #tpu.memory_space<hbm>> -> memref<1x16xf32, #tpu.memory_space<hbm>>
        %dma_start3A_1038 = tpu.memref_squeeze %dma_start3A_1037 : memref<1x16xf32, #tpu.memory_space<hbm>> -> memref<16xf32, #tpu.memory_space<hbm>>
        tpu.enqueue_dma source(%arg11 : memref<16xf32, #tpu.memory_space<vmem>>) target(%dma_start3A_1038 : memref<16xf32, #tpu.memory_space<hbm>>) target_semaphore(%run_scoped3A : memref<!tpu.dma_semaphore, #tpu.memory_space<semaphore_mem>>)
        %dma_wait3A_1039 = arith.constant 0 : i32
        %dma_wait3A_1040 = tpu.memref_slice %arg6[%arg0, %dma_wait3A_1039] : memref<2x16xf32, #tpu.memory_space<hbm>> -> memref<1x16xf32, #tpu.memory_space<hbm>>
        %dma_wait3A_1041 = tpu.memref_squeeze %dma_wait3A_1040 : memref<1x16xf32, #tpu.memory_space<hbm>> -> memref<16xf32, #tpu.memory_space<hbm>>
        %dma_wait3A_1042 = arith.constant 0 : i32
        %dma_wait3A_1043 = tpu.memref_slice %arg6[%arg0, %dma_wait3A_1042] : memref<2x16xf32, #tpu.memory_space<hbm>> -> memref<1x16xf32, #tpu.memory_space<hbm>>
        %dma_wait3A_1044 = tpu.memref_squeeze %dma_wait3A_1043 : memref<1x16xf32, #tpu.memory_space<hbm>> -> memref<16xf32, #tpu.memory_space<hbm>>
        tpu.wait_dma2 semaphore(%run_scoped3A : memref<!tpu.dma_semaphore, #tpu.memory_space<semaphore_mem>>) src(%arg11 : memref<16xf32, #tpu.memory_space<vmem>>) dst(%dma_wait3A_1044 : memref<16xf32, #tpu.memory_space<hbm>>)
        tpu.yield
      }) : () -> ()
    } else {
    }
    %dma_wait3A = tpu.memref_slice %arg3[%mul3A_12] : memref<262144xf32, #tpu.memory_space<hbm>> -> memref<8192xf32, #tpu.memory_space<hbm>>
    %dma_wait3A_979 = tpu.memref_slice %arg3[%mul3A_12] : memref<262144xf32, #tpu.memory_space<hbm>> -> memref<8192xf32, #tpu.memory_space<hbm>>
    tpu.wait_dma2 semaphore(%arg14 : memref<!tpu.dma_semaphore, #tpu.memory_space<semaphore_mem>>) src(%arg8 : memref<8192xf32, #tpu.memory_space<vmem>>) dst(%dma_wait3A_979 : memref<8192xf32, #tpu.memory_space<hbm>>)
    %dma_wait3A_980 = tpu.memref_slice %arg4[%mul3A_2] : memref<32768xi32, #tpu.memory_space<hbm>> -> memref<1024xi32, #tpu.memory_space<hbm>>
    %dma_wait3A_981 = tpu.memref_slice %arg4[%mul3A_2] : memref<32768xi32, #tpu.memory_space<hbm>> -> memref<1024xi32, #tpu.memory_space<hbm>>
    tpu.wait_dma2 semaphore(%arg15 : memref<!tpu.dma_semaphore, #tpu.memory_space<semaphore_mem>>) src(%arg9 : memref<1024xi32, #tpu.memory_space<vmem>>) dst(%dma_wait3A_981 : memref<1024xi32, #tpu.memory_space<hbm>>)
    %dma_wait3A_982 = tpu.memref_slice %arg5[%mul3A_2] : memref<32768xf32, #tpu.memory_space<hbm>> -> memref<1024xf32, #tpu.memory_space<hbm>>
    %dma_wait3A_983 = tpu.memref_slice %arg5[%mul3A_2] : memref<32768xf32, #tpu.memory_space<hbm>> -> memref<1024xf32, #tpu.memory_space<hbm>>
    tpu.wait_dma2 semaphore(%arg16 : memref<!tpu.dma_semaphore, #tpu.memory_space<semaphore_mem>>) src(%arg10 : memref<1024xf32, #tpu.memory_space<vmem>>) dst(%dma_wait3A_983 : memref<1024xf32, #tpu.memory_space<hbm>>)
    return
  }
}

module attributes {stable_mosaic.version = 14 : i64} {
  func.func @_logits_body(%arg0: i32, %arg1: memref<4096x768xf32, #tpu.memory_space<vmem>>, %arg2: memref<768x8xf32, #tpu.memory_space<vmem>>, %arg3: memref<1x8xf32, #tpu.memory_space<vmem>>, %arg4: memref<4096x8xf32, #tpu.memory_space<vmem>>) attributes {dimension_semantics = [#tpu.dimension_semantics<arbitrary>], iteration_bounds = array<i64: 8>, scalar_prefetch = 0 : i64, scratch_operands = 0 : i64, tpu.core_type = #tpu.core_type<tc>, window_params = [{transform_indices = @transform_0, window_bounds = array<i64: 4096, 768>}, {pipeline_mode = #tpu.pipeline_mode<synchronous>, transform_indices = @transform_1, window_bounds = array<i64: 768, 8>}, {pipeline_mode = #tpu.pipeline_mode<synchronous>, transform_indices = @transform_2, window_bounds = array<i64: 1, 8>}, {transform_indices = @transform_3, window_bounds = array<i64: 4096, 8>}]} {
    %get3A = arith.constant 0 : index
    %get3A_0 = arith.constant 0 : index
    %get3A_1 = vector.load %arg1[%get3A, %get3A_0] : memref<4096x768xf32, #tpu.memory_space<vmem>>, vector<4096x768xf32>
    %get3A_2 = arith.constant 0 : index
    %get3A_3 = arith.constant 0 : index
    %get3A_4 = vector.load %arg2[%get3A_2, %get3A_3] : memref<768x8xf32, #tpu.memory_space<vmem>>, vector<768x8xf32>
    %dot_general3A = arith.constant dense<0.000000e+00> : vector<4096x8xf32>
    %dot_general3A_5 = tpu.matmul %get3A_1, %get3A_4, %dot_general3A {dimension_numbers = #tpu.dot_dimension_numbers<[1], [0], [0], [1], [0, 0, 1, 1], [], []>, transpose_lhs_hint = false} : vector<4096x768xf32>, vector<768x8xf32>, vector<4096x8xf32> -> vector<4096x8xf32>
    %get3A_6 = arith.constant 0 : index
    %get3A_7 = arith.constant 0 : index
    %get3A_8 = vector.load %arg3[%get3A_6, %get3A_7] : memref<1x8xf32, #tpu.memory_space<vmem>>, vector<1x8xf32>
    %add3A = vector.broadcast %get3A_8 : vector<1x8xf32> to vector<4096x8xf32>
    %add3A_9 = arith.addf %dot_general3A_5, %add3A : vector<4096x8xf32>
    %swap3A = arith.constant 0 : index
    %swap3A_10 = arith.constant 0 : index
    %swap3A_11 = vector.load %arg4[%swap3A, %swap3A_10] : memref<4096x8xf32, #tpu.memory_space<vmem>>, vector<4096x8xf32>
    tpu.vector_store %arg4[%swap3A, %swap3A_10], %add3A_9 {strides = array<i32>} : memref<4096x8xf32, #tpu.memory_space<vmem>>, vector<4096x8xf32>,
    return
  }
  func.func @transform_0(%arg0: i32) -> (i32, i32) {
    %c0_i32 = arith.constant 0 : i32
    %c0_i32_0 = arith.constant 0 : i32
    return %arg0, %c0_i32 : i32, i32
  }
  func.func @transform_1(%arg0: i32) -> (i32, i32) {
    %c0_i32 = arith.constant 0 : i32
    %c0_i32_0 = arith.constant 0 : i32
    %c0_i32_1 = arith.constant 0 : i32
    return %c0_i32, %c0_i32_0 : i32, i32
  }
  func.func @transform_2(%arg0: i32) -> (i32, i32) {
    %c0_i32 = arith.constant 0 : i32
    %c0_i32_0 = arith.constant 0 : i32
    %c0_i32_1 = arith.constant 0 : i32
    return %c0_i32, %c0_i32_0 : i32, i32
  }
  func.func @transform_3(%arg0: i32) -> (i32, i32) {
    %c0_i32 = arith.constant 0 : i32
    %c0_i32_0 = arith.constant 0 : i32
    return %arg0, %c0_i32 : i32, i32
  }
}

</mosaic_0001>

<sc_bundles>
// kernel: kernel.4.cloned.1.call-start
scs
__scs_entry_jumppad:
0x0: {  	(pc) =	sbr.rel $0x88, $3  }
0x1: {  	(tag) =	ssettag $0x0;
	lr =	simm.s32 $0x1  }
0x2: {  	[smem:$0x3F9E] =	sst lr;
	_ =	strace $0xD0000000  }
0x3: {  	_ = 	snop  }
0x4: {  	_ = 	snop  }
0x5: {  	_ = 	snop  }
0x6: {  	_ = 	snop  }
0x7: {  	_ = 	snop  }
__scs_overlays_trampoline_lowered:
0x8: {  	[smem:$0x3FAD] =	sst s0  }
0x9: {  	[smem:$0x3FAE] =	sst s1  }
0xa: {  	[smem:$0x3FAF] =	sst s2  }
0xb: {  	[smem:$0x3FB0] =	sst s3  }
0xc: {  	[smem:$0x3FB1] =	sst s4  }
0xd: {  	[smem:$0x3FB2] =	sst s5  }
0xe: {  	[smem:$0x3FB3] =	sst s6  }
0xf: {  	[smem:$0x3FB4] =	sst s7  }
0x10: {  	[smem:$0x3FB5] =	sst s8  }
0x11: {  	[smem:$0x3FB6] =	sst s9;
	s0 =	simm.s32 @!p0 $0x0  }
0x12: {  	s1 =	sld [smem:$0x3F9C];
	s0 =	simm.s32 @p0 $0x1  }
0x13: {  	[smem:$0x3FB7] =	sst s0;
	s0 =	simm.s32 @!p1 $0x0  }
0x14: {  	s2 =	sld [smem:$0x3F9B];
	s0 =	simm.s32 @p1 $0x1  }
0x15: {  	[smem:$0x3FB8] =	sst s0;
	s0 =	simm.s32 @!p2 $0x0  }
0x16: {  	s3 =	sld [smem:$0x3FDB];
	s0 =	simm.s32 @p2 $0x1  }
0x17: {  	s4 =	simm.s32 $0x1BF5;
	[smem:$0x3FBA] =	sst s0  }
0x18: {  	s0 =	sld [smem:$0x3F9D];
	_ =	swait.ge [sflag:s4], $0x0  }
0x19: {  	s7 =	sld [smem:$0x3F9E]  }
0x1a: {  	s8 =	sadd.s32 $0xFFFFE003, lr  }
0x1b: {  	s9 =	sadd.s32 $0xFFFFFEF7, lr;
	s5 =	simm.s32 $0xFFFFFFFF;
	p2 =	slt.u32 s8, $0xFFFFF086  }
0x1c: {  	p1 =	slt.u32 s9, $0xF7A;
	s5 =	simm.s32 @!p2 $0x0  }
0x1d: {  	s5 =	simm.s32 @p1 $0x1;
	p0 =	seq.s32 s7, s2  }
0x1e: {  	s7 =	smul.u32 @!p0 $0xF7A, s2;
	p2 =	seq.s32 @!p0 s5, $0x0  }
0x1f: {  	s9 =	smul.u32 $0xF7A, s1;
	s8 =	simm.s32 @!p0 $0x1BF5;
	p2 =	por !p2, p0  }
0x20: {  	[sflag:s8] =	ssyncset.s32 @!p0 $0xFFFFF086;
	s6 =	sadd.s32 @!p0 s3, s7;
	s7 =	simm.s32 @!p0 $0x108  }
0x21: {  	s3 =	sadd.s32 s3, s9;
	s6 =	sadd.s32 @!p0 $0x88, s6;
	s7 =	simm.s32 @p2 $0x1082  }
0x22: {  	[simem:s7], [sflag:s8] =	dma.local @!p0 [hbm:s6], $0xF7A  }
0x23: {  	s9 =	sor.u32 $0xD0000000, s2;
	s6 =	simm.s32 $0x108;
	_ =	swait.ge @!p0 [sflag:s8], $0x0  }
0x24: {  	s3 =	sadd.s32 $0x88, s3;
	s6 =	simm.s32 @!p1 $0x1082;
	[sflag:s4] =	ssyncset.s32 $0xFFFFF086  }
0x25: {  	[simem:s6], [sflag:s4] =	dma.local [hbm:s3], $0xF7A  }
0x26: {  	[smem:$0x3F9E] =	sst s1;
	(tag) =	ssettag s2;
	_ =	strace s9  }
0x27: {  	s1 =	sld [smem:$0x3FAE]  }
0x28: {  	s2 =	sld [smem:$0x3FAF]  }
0x29: {  	s4 =	sld [smem:$0x3FB1]  }
0x2a: {  	p0 =	seq.s32 s5, $0x0;
	s5 =	sld [smem:$0x3FB2]  }
0x2b: {  	s6 =	sld [smem:$0x3FB3]  }
0x2c: {  	s7 =	sld [smem:$0x3FB4]  }
0x2d: {  	s3 =	simm.s32 $0x108;
	s8 =	sld [smem:$0x3FB5]  }
0x2e: {  	s3 =	simm.s32 @!p0 $0x1082;
	s9 =	sld [smem:$0x3FB6]  }
0x2f: {  	lr =	sadd.s32 s0, s3;
	s0 =	sld [smem:$0x3FAD]  }
0x30: {  	s3 =	sld [smem:$0x3FB0]  }
0x31: {  	[smem:$0x3FB9] =	sst s10  }
0x32: {  	s10 =	sld [smem:$0x3FB7];
	_ =	sdelay $0x3  }
0x33: {  	p0 =	seq.s32 s10, $0x1;
	s10 =	sld [smem:$0x3FB9];
	_ =	sdelay $0x3  }
0x34: {  	[smem:$0x3FB9] =	sst s10  }
0x35: {  	s10 =	sld [smem:$0x3FB8];
	_ =	sdelay $0x3  }
0x36: {  	p1 =	seq.s32 s10, $0x1;
	s10 =	sld [smem:$0x3FB9];
	_ =	sdelay $0x3  }
0x37: {  	[smem:$0x3FB9] =	sst s10  }
0x38: {  	s10 =	sld [smem:$0x3FBA]  }
0x39: {  	_ = 	snop;
	(pc) =	sbr.ind lr, $3  }
0x3a: {  	_ = 	snop  }
0x3b: {  	_ = 	snop  }
0x3c: {  	p2 =	seq.s32 s10, $0x1;
	s10 =	sld [smem:$0x3FB9]  }
0x3d: {  	_ =	shalt  }
0x3e: {  	_ =	shalt  }
0x3f: {  	_ =	shalt  }
0x40: {  	_ =	shalt  }
0x41: {  	_ =	shalt  }
0x42: {  	_ =	shalt  }
0x43: {  	_ =	shalt  }
0x44: {  	_ =	shalt  }
0x45: {  	_ =	shalt  }
0x46: {  	_ =	shalt  }
0x47: {  	_ =	shalt  }
0x48: {  	_ =	shalt  }
0x49: {  	_ =	shalt  }
0x4a: {  	_ =	shalt  }
0x4b: {  	_ =	shalt  }
0x4c: {  	_ =	shalt  }
0x4d: {  	_ =	shalt  }
0x4e: {  	_ =	shalt  }
0x4f: {  	_ =	shalt  }
0x50: {  	_ =	shalt  }
0x51: {  	_ =	shalt  }
0x52: {  	_ =	shalt  }
0x53: {  	_ =	shalt  }
0x54: {  	_ =	shalt  }
0x55: {  	_ =	shalt  }
0x56: {  	_ =	shalt  }
0x57: {  	_ =	shalt  }
0x58: {  	_ =	shalt  }
0x59: {  	_ =	shalt  }
0x5a: {  	_ =	shalt  }
0x5b: {  	_ =	shalt  }
0x5c: {  	_ =	shalt  }
0x5d: {  	_ =	shalt  }
0x5e: {  	_ =	shalt  }
0x5f: {  	_ =	shalt  }
0x60: {  	_ =	shalt  }
0x61: {  	_ =	shalt  }
0x62: {  	_ =	shalt  }
0x63: {  	_ =	shalt  }
0x64: {  	_ =	shalt  }
0x65: {  	_ =	shalt  }
0x66: {  	_ =	shalt  }
0x67: {  	_ =	shalt  }
0x68: {  	_ =	shalt  }
0x69: {  	_ =	shalt  }
0x6a: {  	_ =	shalt  }
0x6b: {  	_ =	shalt  }
0x6c: {  	_ =	shalt  }
0x6d: {  	_ =	shalt  }
0x6e: {  	_ =	shalt  }
0x6f: {  	_ =	shalt  }
0x70: {  	_ =	shalt  }
0x71: {  	_ =	shalt  }
0x72: {  	_ =	shalt  }
0x73: {  	_ =	shalt  }
0x74: {  	_ =	shalt  }
0x75: {  	_ =	shalt  }
0x76: {  	_ =	shalt  }
0x77: {  	_ =	shalt  }
0x78: {  	_ =	shalt  }
0x79: {  	_ =	shalt  }
0x7a: {  	_ =	shalt  }
0x7b: {  	_ =	shalt  }
0x7c: {  	_ =	shalt  }
0x7d: {  	_ =	shalt  }
0x7e: {  	_ =	shalt  }
0x7f: {  	_ =	shalt  }
0x80: {  	_ =	shalt  }
0x81: {  	_ =	shalt  }
0x82: {  	_ =	shalt  }
0x83: {  	_ =	shalt  }
0x84: {  	_ =	shalt  }
0x85: {  	_ =	shalt  }
0x86: {  	_ =	shalt  }
0x87: {  	_ =	shalt  }
.Lfunc_end0:
.L_simem_size_0:
called_computation_lowered:
.L_overlay_start_0:
0x88: {  	s2 =	sld [smem:$0x3FD9]  }
0x89: {  	s3 =	sld [smem:$0x3FFE];
	_ =	sdelay $0x1  }
0x8a: {  	s1 =	srdreg.scid  }
0x8b: {  	s0 =	sand.u32 $0x1, s1  }
0x8c: {  	s14 =	sshll.u32 s0, $0xA;
	s2 =	sadd.s32 s3, s2  }
0x8d: {  	s2 =	sadd.s32 s2, s14  }
0x8e: {  	[smem:$0x3FC5] =	sst s2  }
0x8f: {  	_ = 	snop  }
0x90: {  	s2 =	sld [smem:$0x3FD0];
	_ =	sdelay $0x2  }
0x91: {  	s15 =	simm.s32 $0xA;
	s4 =	simm.s32 $0x10  }
0x92: {  	[smem:s4], [sflag:s15] =	dma.local [hbm:s2], $0x1  }
0x93: {  	_ =	swait.eq [sflag:s15], $0x1  }
0x94: {  	s16 =	sld [smem:$0x10];
	[sflag:s15] =	ssyncset.done $0x0  }
0x95: {  	s17 =	sld [smem:$0x11];
	[sflag:s15] =	ssyncadd.s32 $0xFFFFFFFF  }
0x96: {  	s18 =	sld [smem:$0x12];
	(tm) =	ssettm $0x1  }
0x97: {  	s5 =	sld [smem:$0x3FFB];
	_ =	sdelay $0x3  }
0x98: {  	_ =	strace s5  }
0x99: {  	s5 =	sld [smem:$0x3FFC];
	_ =	sdelay $0x3  }
0x9a: {  	_ =	strace s5  }
0x9b: {  	s5 =	sld [smem:$0x3FFD];
	_ =	sdelay $0x3  }
0x9c: {  	_ =	strace s5  }
0x9d: {  	_ =	strace $0x8FFFFFFF  }
0x9e: {  	s19 =	sld [smem:$0x3FDB];
	_ =	sdelay $0x1  }
0x9f: {  	s6 =	simm.s32 $_scs_section_size  }
0xa0: {  	s7 =	simm.s32 $_size__tile_overlayer_lowered;
	s8 =	simm.s32 $_tile_overlayer_lowered  }
0xa1: {  	s22 =	simm.s32 $0x1BFF;
	s21 =	sshll.u32 s8, $0x1;
	s5 =	sadd.s32 s6, s19  }
0xa2: {  	s9 =	simm.s32 $0x0;
	s20 =	sshll.u32 s7, $0x1;
	s7 =	sadd.s32 s21, s5  }
0xa3: {  	[timem:s9], [sflag:s22] =	dma.local [hbm:s7], s20  }
0xa4: {  	_ =	swait.ge [sflag:s22], s20  }
0xa5: {  	s6 =	ssub.s32 $0x0, s20;
	[sflag:s22] =	ssyncset.done $0x0  }
0xa6: {  	[sflag:s22] =	ssyncadd.s32 s6;
	_ =	sdelay $0x1  }
0xa7: {  	s23 =	simm.s32 $0x1B8B  }
0xa8: {  	_ =	swait.ge [sflag:s23], $0x1  }
0xa9: {  	[sflag:s23] =	ssyncset.done $0x0  }
0xaa: {  	s25 =	simm.s32 $0x1B8E;
	s24 =	sld [smem:$0x3FFE];
	[sflag:s23] =	ssyncadd.s32 $0xFFFFFFFF  }
0xab: {  	s26 =	simm.s32 $execute0_lowered;
	[smem:$0x3FD2] =	sst s25  }
0xac: {  	s7 =	sshll.u32 s26, $0x1;
	_ =	strace $0x80000046;
	[dreg:$0x1] =	wrdreg $0xFFFFFFFF  }
0xad: {  	s28 =	simm.s32 $_size_execute0_lowered;
	s5 =	sadd.s32 s5, s7;
	[dreg:$0x0] =	wrdreg $0x0  }
0xae: {  	s7 =	sshll.u32 s28, $0x1;
	[dreg:$0x2] =	wrdreg s5  }
0xaf: {  	[dreg:$0x3] =	wrdreg s7  }
0xb0: {  	[dreg:$0x4] =	wrdreg $0xC0  }
0xb1: {  	_ =	task [dreg:s9], $0x5FFFF  }
0xb2: {  	[dreg:$0x1] =	wrdreg $0xFFFFFFFF  }
0xb3: {  	[dreg:$0x0] =	wrdreg $0x60  }
0xb4: {  	[dreg:$0x2] =	wrdreg s16  }
0xb5: {  	[dreg:$0x3] =	wrdreg s24  }
0xb6: {  	[dreg:$0x4] =	wrdreg s17  }
0xb7: {  	[dreg:$0x5] =	wrdreg s18  }
0xb8: {  	[dreg:$0x6] =	wrdreg $0x49800  }
0xb9: {  	[dreg:$0x7] =	wrdreg $0x9  }
0xba: {  	_ =	task.clear_ibuf [dreg:s9], $0x8FFFF;
	_ =	strace $0x90000046  }
0xbb: {  	s29 =	simm.s32 $0x9;
	_ =	strace $0x80000048  }
0xbc: {  	_ =	swait.ge [sflag:s29], $0x1  }
0xbd: {  	[sflag:s29] =	ssyncadd.s32 $0xFFFFFFFF  }
0xbe: {  	_ =	strace $0x90000048  }
0xbf: {  	_ =	sfence  }
0xc0: {  	s30 =	sld [smem:$0x0];
	_ =	sdelay $0x2  }
0xc1: {  	s31 =	sshll.u32 s1, $0xD;
	s1 =	sshrl.u32 s1, $0x2  }
0xc2: {  	s3 =	sand.u32 $0x4000, s31;
	s1 =	sadd.s32 s1, s30  }
0xc3: {  	s0 =	sor.u32 s3, s0;
	s1 =	sshll.u32 s1, $0x11  }
0xc4: {  	s0 =	sor.u32 s1, s0  }
0xc5: {  	s0 =	sadd.s32 $0x8F2B, s0  }
0xc6: {  	[sflag:s0] =	ssyncadd.remote.s32 $0x1  }
0xc7: {  	_ =	sfence.sel $0xFFFF  }
0xc8: {  	[dreg:$0x0] =	wrdreg $0xFFFFFFFF;
	(pc) =	sbr.abs _section_cstart, $3  }
0xc9: {  	[dreg:$0x1] =	wrdreg $0xFFFFFFFF  }
0xca: {  	_ =	task.clear_ibuf [dreg:s9], $0x2FFFF;
	_ =	strace $0x9FFFFFFF  }
0xcb: {  	(tm) =	ssettm $0x7FFFFFFF  }
tec
execute0_lowered:
.L_overlay_start_1:
0x0: {  	(tag) =	ssettag $0x1  }
0x1: {  	v0 =	vlaneseq.u32  }
0x2: {  	s3 =	rddreg [dreg:$0x0];
	v2 =	vimm.s32 $0xBA98FEDC;
	v3 =	vimm.s32 $0x32107654;
	v1 =	vimm.s32 $0x2  }
0x3: {  	s4 =	rddreg [dreg:$0x1];
	v6 =	vimm.s32 $0x76543210;
	v7 =	vimm.s32 $0xFEDCBA98;
	v8 =	vimm.s32 $0xDCFE98BA  }
0x4: {  	s5 =	rddreg [dreg:$0x2];
	v10 =	vimm.s32 $0x67452301;
	vm1 =	vcmask $0x2320;
	vm0 =	vcmask $0x300  }
0x5: {  	s6 =	rddreg [dreg:$0x3];
	vm5 =	vcmask $0x2B20;
	vm6 =	vcmask $0xF00;
	vm7 =	vcmask $0x2F20  }
0x6: {  	s1 =	rddreg [dreg:$0x4];
	vm8 =	vcmask $0x1300;
	v4 =	vunpack.c.l.s4.s8 v2;
	v5 =	vunpack.c.l.s4.s8 v3  }
0x7: {  	s0 =	rddreg [dreg:$0x5];
	s7 =	srdreg.scid;
	vm9 =	vcmask $0x3320;
	vm2 =	vcmask $0x1B00;
	vm11 =	vcmask $0x1700  }
0x8: {  	s12 =	stileid.u32;
	s2 =	simm.s32 $0x0;
	s15 =	simm.s32 $0x1;
	vm12 =	vcmask $0x3720;
	v4 =	vunpack.c.0.s8.s32 v4;
	v5 =	vunpack.c.0.s8.s32 v5  }
0x9: {  	s16 =	simm.s32 $0x2;
	s17 =	simm.s32 $0x3;
	s18 =	simm.s32 $0x0;
	v0 =	vmul.u32 $0x8, v0;
	v2 =	vimm.s32 $0x4;
	v3 =	vimm.s32 $0x6  }
0xa: {  	v7 =	vunpack.c.l.s4.s8 v7;
	s7 =	sand.u32 $0x1, s7;
	s8 =	sshll.u32 s12, $0x1;
	v10 =	vunpack.c.l.s4.s8 v10;
	[smem:$0x7FF] =	sst s2;
	v9 =	vcombine.low v5, v4  }
0xb: {  	s31 =	sshll.u32 s12, $0x4;
	p0 =	sne.s32 s12, $0x0;
	s12 =	simm.s32 $0x4000;
	v4 =	vunpack.c.l.s4.s8 v8;
	v5 =	vimm.s32 $0x54761032;
	v8 =	vimm.s32 $0xEFCDAB89  }
0xc: {  	v6 =	vunpack.c.l.s4.s8 v6;
	s8 =	sor.u32 s7, s8;
	_ =	strace $0x80000047;
	s10 =	ssub.s32 $0x2, s7;
	v5 =	vunpack.c.l.s4.s8 v5;
	v8 =	vunpack.c.l.s4.s8 v8  }
0xd: {  	vm1 =	vmor vm0, vm1;
	s7 =	sshll.u32 s7, $0x4;
	v7 =	vunpack.c.0.s8.s32 v7;
	s9 =	sshll.u32 s8, $0xA;
	v10 =	vunpack.c.0.s8.s32 v10;
	s13 =	sshrl.u32 s10, $0x1  }
0xe: {  	s14 =	sadd.s32 s7, s4;
	s30 =	sshll.u32 s8, $0x7;
	s7 =	sadd.s32 s31, s1;
	v11 =	vunpack.c.0.s8.s32 v4;
	v12 =	vunpack.c.0.s8.s32 v5;
	v8 =	vunpack.c.0.s8.s32 v8  }
0xf: {  	vm0 =	vcmask $0x3B20;
	v6 =	vunpack.c.0.s8.s32 v6;
	s11 =	sadd.s32 s9, s4;
	s10 =	ssub.s32 s10, s13;
	s3 =	sadd.s32 s3, s9;
	v4 =	vand.u32 $0xF, v7  }
0x10: {  	s5 =	sadd.s32 s5, s30;
	s6 =	sadd.s32 s6, s30;
	s8 =	sadd.s32 $0x600, s14;
	v7 =	vand.u32 $0xF, v9;
	v11 =	vcombine.low v12, v11;
	v9 =	vcombine.low v10, v8  }
0x11: {  	vm13 =	vmor vm2, vm0;
	s13 =	simm.s32 $0x4400;
	s14 =	simm.s32 $0x4800;
	s4 =	sadd.s32 $0x800, s11;
	v4 =	vcombine.low v4, v6;
	v5 =	vimm.s32 $0x0  }
0x12: {  	s9 =	smax.u32 s10, $0x1;
	s10 =	simm.s32 $0x4;
	s11 =	simm.s32 $0x2000;
	v6 =	vimm.f32 $0.0e+00;
	v8 =	vand.u32 $0xF, v11;
	v9 =	vand.u32 $0xF, v9  }
.LBB2_1:
0x13: {  	v10 =	vmov s2  }
0x14: {  	v10 =	vshll.u32 v10, $0x3  }
0x15: {  	v10 =	vor.u32 v0, v10  }
0x16: {  	[tilespmem:s2], [sflag:$0x4] =	stream.linear.gather [hbm4b:s3+s2], $0x2000, $0x38;
	v11 =	vor.u32 $0x7, v10;
	[tilespmem:$0x4990] =	vst v63  }
0x17: {  	_ =	swait.ge [sflag:s10], $0x2000;
	v12 =	vor.u32 $0x2, v10  }
0x18: {  	[sflag:s10] =	ssyncset.done $0x0;
	v13 =	vor.u32 $0x1, v10  }
0x19: {  	[sflag:s10] =	ssyncadd.s32 $0xFFFFE000;
	v14 =	vor.u32 $0x5, v10  }
0x1a: {  	v15 =	vor.u32 $0x6, v10;
	v16 =	vld.idx.msk [tilespmem:v10+s2+$0x0], $0xffff  }
0x1b: {  	v17 =	vor.u32 $0x4, v10;
	v18 =	vld.idx.msk [tilespmem:v11+s2+$0x0], $0xffff  }
0x1c: {  	v19 =	vor.u32 $0x3, v10;
	v20 =	vld.idx.msk [tilespmem:v12+s2+$0x0], $0xffff  }
0x1d: {  	v21 =	vld.idx.msk [tilespmem:v13+s2+$0x0], $0xffff  }
0x1e: {  	v22 =	vld.idx.msk [tilespmem:v14+s2+$0x0], $0xffff  }
0x1f: {  	v23 =	vld.idx.msk [tilespmem:v15+s2+$0x0], $0xffff  }
0x20: {  	v24 =	vld.idx.msk [tilespmem:v17+s2+$0x0], $0xffff  }
0x21: {  	v25 =	vld.idx.msk [tilespmem:v19+s2+$0x0], $0xffff;
	_ =	sdelay $0x3  }
0x22: {  	vm4 =	vgt.f32 v21, v16;
	vm14 =	vgt.f32 v18, v23  }
0x23: {  	vm0 =	vgt.f32 v22, v24;
	vm10 =	vgt.f32 v25, v20;
	v26 =	vsel vm4, v21, v16  }
0x24: {  	v27 =	vsel vm14, v18, v23;
	v28 =	vsel vm0, v22, v24;
	v29 =	vsel vm10, v25, v20  }
0x25: {  	vm2 =	vgt.f32 v27, v28;
	vm15 =	vgt.f32 v29, v26  }
0x26: {  	v27 =	vsel vm2, v27, v28;
	v26 =	vsel vm15, v29, v26  }
0x27: {  	vm3 =	vgt.f32 v27, v26  }
0x28: {  	v26 =	vsel vm3, v27, v26  }
0x29: {  	v21 =	vsub.f32 v21, v26  }
0x2a: {  	v20 =	vsub.f32 v20, v26  }
0x2b: {  	v18 =	vsub.f32 v18, v26;
	v21 =	vmul.f32 $1.442695020e+00, v21  }
0x2c: {  	v16 =	vsub.f32 v16, v26;
	v20 =	vmul.f32 $1.442695020e+00, v20  }
0x2d: {  	v23 =	vsub.f32 v23, v26;
	v18 =	vmul.f32 $1.442695020e+00, v18;
	(erf) = vpow2.f32 v21  }
0x2e: {  	v16 =	vmul.f32 $1.442695020e+00, v16;
	v21 =	vsub.f32 v22, v26;
	(erf) = vpow2.f32 v20  }
0x2f: {  	v22 =	vmul.f32 $1.442695020e+00, v23;
	v20 =	vsub.f32 v24, v26;
	(erf) = vpow2.f32 v18  }
0x30: {  	v18 =	vsub.f32 v25, v26;
	v21 =	vmul.f32 $1.442695020e+00, v21;
	(erf) = vpow2.f32 v16  }
0x31: {  	v16 =	vmul.f32 $1.442695020e+00, v20;
	(erf) = vpow2.f32 v22  }
0x32: {  	v18 =	vmul.f32 $1.442695020e+00, v18;
	(erf) = vpow2.f32 v21  }
0x33: {  	(erf) = vpow2.f32 v16  }
0x34: {  	(erf) = vpow2.f32 v18;
	_ =	sdelay $0x1  }
0x35: {  	v16 =	vpop (erf)  }
0x36: {  	v18 =	vpop (erf)  }
0x37: {  	v20 =	vpop (erf)  }
0x38: {  	v21 =	vpop (erf)  }
0x39: {  	v22 =	vpop (erf)  }
0x3a: {  	v23 =	vpop (erf)  }
0x3b: {  	v24 =	vpop (erf)  }
0x3c: {  	v25 =	vadd.f32 v16, v21;
	v26 =	vadd.f32 v20, v22;
	v27 =	vpop (erf)  }
0x3d: {  	v28 =	vadd.f32 v23, v24;
	v29 =	vadd.f32 v27, v18;
	_ =	sdelay $0x1  }
0x3e: {  	v26 =	vadd.f32 v26, v28;
	v25 =	vadd.f32 v29, v25;
	_ =	sdelay $0x1  }
0x3f: {  	v25 =	vadd.f32 v26, v25;
	_ =	sdelay $0x1  }
0x40: {  	(erf) = vrcp.f32 v25;
	_ =	sdelay $0x8  }
0x41: {  	v25 =	vpop (erf)  }
0x42: {  	v28 =	vmul.f32 v25, v21  }
0x43: {  	v34 =	vmul.f32 v25, v16  }
0x44: {  	v29 =	vmul.f32 v25, v18;
	[tilespmem:v10+s11+$0x0] =	vst.idx.msk $0xffff, v28  }
0x45: {  	v31 =	vmul.f32 v25, v27;
	[tilespmem:v13+s11+$0x0] =	vst.idx.msk $0xffff, v34  }
0x46: {  	s19 =	simm.s32 $0x10;
	v35 =	vmul.f32 v25, v24;
	v39 =	vmul.f32 v25, v23;
	[tilespmem:v12+s11+$0x0] =	vst.idx.msk $0xffff, v29  }
0x47: {  	v40 =	vmul.f32 v25, v22;
	v32 =	vmul.f32 v25, v20;
	v10 =	vmov s19;
	[tilespmem:v19+s11+$0x0] =	vst.idx.msk $0xffff, v31  }
0x48: {  	v16 =	vsel vm0, $0x5, v2;
	v10 =	vshll.u32 v10, $0x3;
	v13 =	vsel vm14, $0x7, v3;
	[tilespmem:v17+s11+$0x0] =	vst.idx.msk $0xffff, v35  }
0x49: {  	v12 =	vsel vm4, $0x1, v5;
	v21 =	vor.u32 v0, v10;
	v10 =	vsel vm10, $0x3, v1;
	[tilespmem:v14+s11+$0x0] =	vst.idx.msk $0xffff, v39  }
0x4a: {  	v20 =	vor.u32 $0x2, v21;
	v10 =	vsel vm15, v10, v12;
	v12 =	vsel vm2, v13, v16;
	[tilespmem:v15+s11+$0x0] =	vst.idx.msk $0xffff, v40  }
0x4b: {  	s21 =	simm.s32 $0x4010;
	v18 =	vor.u32 $0x3, v21;
	v10 =	vsel vm3, v12, v10;
	[tilespmem:v11+s11+$0x0] =	vst.idx.msk $0xffff, v32  }
0x4c: {  	s22 =	simm.s32 $0x4410;
	v16 =	vor.u32 $0x4, v21;
	[tilespmem:s21+$0xFFFFFFF0] =	vst v10  }
0x4d: {  	v22 =	vor.u32 $0x1, v21;
	[tilespmem:s22+$0xFFFFFFF0] =	vst v25  }
0x4e: {  	v17 =	vor.u32 $0x5, v21;
	v11 =	vld.idx.msk [tilespmem:v21+s2+$0x0], $0xffff  }
0x4f: {  	v19 =	vor.u32 $0x6, v21;
	v12 =	vld.idx.msk [tilespmem:v20+s2+$0x0], $0xffff  }
0x50: {  	v13 =	vor.u32 $0x7, v21;
	v14 =	vld.idx.msk [tilespmem:v18+s2+$0x0], $0xffff  }
0x51: {  	v15 =	vld.idx.msk [tilespmem:v16+s2+$0x0], $0xffff  }
0x52: {  	vm0 =	veq.s32 v10, $0x3;
	vm2 =	veq.s32 v10, $0x4;
	v23 =	vld.idx.msk [tilespmem:v22+s2+$0x0], $0xffff  }
0x53: {  	vm3 =	veq.s32 v10, $0x5;
	vm4 =	veq.s32 v10, $0x2;
	v33 =	vsel vm0, $0x3F800000, v6;
	v26 =	vld.idx.msk [tilespmem:v17+s2+$0x0], $0xffff  }
0x54: {  	v37 =	vsel vm4, $0x3F800000, v6;
	v25 =	vsel vm2, $0x3F800000, v6;
	vm2 =	veq.s32 v10, $0x7;
	v30 =	vld.idx.msk [tilespmem:v19+s2+$0x0], $0xffff  }
0x55: {  	vm4 =	veq.s32 v10, $0x1;
	v27 =	vsel vm2, $0x3F800000, v6;
	vm2 =	veq.s32 v10, $0x6;
	v36 =	vld.idx.msk [tilespmem:v13+s2+$0x0], $0xffff  }
0x56: {  	v58 =	vsel vm4, $0x3F800000, v6;
	v24 =	vsel vm2, $0x3F800000, v6;
	vm2 =	veq.s32 v10, $0x0  }
0x57: {  	v38 =	vadd.f32 v37, v6;
	v37 =	vadd.f32 v58, v6;
	v10 =	vsel vm2, $0x3F800000, v6  }
0x58: {  	v25 =	vadd.f32 v25, v6;
	v43 =	vadd.f32 v10, v6;
	v10 =	vsel vm3, $0x3F800000, v6  }
0x59: {  	vm0 =	vgt.f32 v14, v12;
	vm2 =	vgt.f32 v23, v11;
	vm4 =	vgt.f32 v26, v15  }
0x5a: {  	vm3 =	vgt.f32 v36, v30;
	v41 =	vsel vm2, v23, v11;
	v42 =	vsel vm0, v14, v12  }
0x5b: {  	v44 =	vsel vm0, $0x3, v1;
	v45 =	vsel vm4, v26, v15;
	v46 =	vsel vm3, v36, v30  }
0x5c: {  	v48 =	vsel vm4, $0x5, v2;
	vm10 =	vgt.f32 v42, v41;
	vm0 =	vgt.f32 v46, v45  }
0x5d: {  	v49 =	vsel vm3, $0x7, v3;
	v41 =	vsel vm10, v42, v41;
	v59 =	vsel vm0, v46, v45  }
0x5e: {  	v27 =	vadd.f32 v27, v6;
	v60 =	vsel vm0, v49, v48;
	vm0 =	vgt.f32 v59, v41  }
0x5f: {  	v61 =	vadd.f32 v24, v6;
	v47 =	vsel vm2, $0x1, v5;
	v41 =	vsel vm0, v59, v41  }
0x60: {  	v10 =	vadd.f32 v10, v6;
	v44 =	vsel vm10, v44, v47;
	v11 =	vsub.f32 v11, v41  }
0x61: {  	v24 =	vsel vm0, v60, v44;
	v12 =	vsub.f32 v12, v41;
	v36 =	vsub.f32 v36, v41  }
0x62: {  	vm0 =	veq.s32 v24, $0x1;
	v15 =	vsub.f32 v15, v41;
	v26 =	vsub.f32 v26, v41  }
0x63: {  	vm2 =	veq.s32 v24, $0x2;
	v23 =	vsub.f32 v23, v41;
	v14 =	vsub.f32 v14, v41  }
0x64: {  	vm3 =	veq.s32 v24, $0x4;
	vm4 =	veq.s32 v24, $0x0;
	vm10 =	veq.s32 v24, $0x3  }
0x65: {  	vm14 =	veq.s32 v24, $0x7;
	v11 =	vmul.f32 $1.442695020e+00, v11;
	v62 =	vmul.f32 $1.442695020e+00, v12  }
0x66: {  	v12 =	vsub.f32 v30, v41;
	v15 =	vmul.f32 $1.442695020e+00, v15;
	v30 =	vmul.f32 $1.442695020e+00, v36  }
0x67: {  	v63 =	vsel vm2, $0x3F800000, v6;
	v26 =	vmul.f32 $1.442695020e+00, v26;
	v23 =	vmul.f32 $1.442695020e+00, v23  }
0x68: {  	vm2 =	veq.s32 v24, $0x5;
	v14 =	vmul.f32 $1.442695020e+00, v14;
	(erf) = vpow2.f32 v30  }
0x69: {  	v41 =	vimm.f32 $0.0e+00;
	v36 =	vimm.f32 $0.0e+00;
	(erf) = vpow2.f32 v11  }
0x6a: {  	v12 =	vmul.f32 $1.442695020e+00, v12;
	v30 =	vsel vm3, $0x3F800000, v6;
	(erf) = vpow2.f32 v14  }
0x6b: {  	vm3 =	veq.s32 v24, $0x6;
	v11 =	vadd.f32 v30, v25;
	(erf) = vpow2.f32 v23  }
0x6c: {  	v25 =	vsel vm0, $0x3F800000, v6;
	v30 =	vimm.f32 $0.0e+00;
	(erf) = vpow2.f32 v12  }
0x6d: {  	v14 =	vsel vm2, $0x3F800000, v6;
	v37 =	vadd.f32 v25, v37;
	(erf) = vpow2.f32 v26  }
0x6e: {  	v25 =	vimm.f32 $0.0e+00;
	v23 =	vsel vm3, $0x3F800000, v6;
	(erf) = vpow2.f32 v15  }
0x6f: {  	v12 =	vadd.f32 v14, v10;
	v10 =	vsel vm14, $0x3F800000, v6;
	(erf) = vpow2.f32 v62  }
0x70: {  	v14 =	vadd.f32 v33, v6;
	v33 =	vadd.f32 v63, v38;
	v38 =	vimm.f32 $0.0e+00  }
0x71: {  	v10 =	vadd.f32 v10, v27;
	v26 =	vimm.f32 $0.0e+00;
	v15 =	vsel vm4, $0x3F800000, v6;
	v44 =	vpop (erf)  }
0x72: {  	v27 =	vimm.f32 $0.0e+00;
	v42 =	vadd.f32 v15, v43;
	v15 =	vsel vm10, $0x3F800000, v6;
	v46 =	vpop (erf)  }
0x73: {  	s23 =	simm.s32 $0x20;
	s20 =	simm.s32 $0x4010;
	s19 =	simm.s32 $0x4410;
	v14 =	vadd.f32 v15, v14;
	v15 =	vadd.f32 v23, v61;
	v23 =	vimm.f32 $0.0e+00;
	v45 =	vpop (erf)  }
.LBB2_2:
0x74: {  	p1 =	sne.s32 s23, $0x3E0;
	s21 =	sadd.s32 $0x20, s21;
	s22 =	sadd.s32 $0x20, s22;
	v43 =	vpop (erf)  }
0x75: {  	s24 =	smov.u32 s23;
	s23 =	sadd.s32 $0x20, s23;
	v47 =	vpop (erf)  }
0x76: {  	v48 =	vadd.f32 v44, v47;
	v49 =	vpop (erf)  }
0x77: {  	v50 =	vpop (erf)  }
0x78: {  	v51 =	vadd.f32 v49, v50;
	v52 =	vpop (erf)  }
0x79: {  	v53 =	vadd.f32 v43, v46;
	v54 =	vadd.f32 v45, v52;
	_ =	sdelay $0x1  }
0x7a: {  	v48 =	vadd.f32 v48, v51;
	v53 =	vadd.f32 v54, v53;
	_ =	sdelay $0x1  }
0x7b: {  	v48 =	vadd.f32 v48, v53;
	_ =	sdelay $0x1  }
0x7c: {  	(erf) = vrcp.f32 v48;
	_ =	sdelay $0x6  }
0x7d: {  	v34 =	vadd.f32 v34, v41;
	v38 =	vadd.f32 v39, v38  }
0x7e: {  	v30 =	vadd.f32 v35, v30;
	v35 =	vadd.f32 v40, v36  }
0x7f: {  	v26 =	vadd.f32 v29, v26;
	v27 =	vadd.f32 v31, v27;
	v29 =	vpop (erf)  }
0x80: {  	v25 =	vadd.f32 v28, v25;
	v28 =	vmul.f32 v29, v46;
	v36 =	vmul.f32 v29, v47  }
0x81: {  	v23 =	vadd.f32 v32, v23;
	v39 =	vmul.f32 v29, v43;
	v40 =	vmul.f32 v29, v44  }
0x82: {  	[tilespmem:v21+s11+$0x0] =	vst.idx.msk $0xffff, v28;
	v25 =	vadd.f32 v28, v25;
	v21 =	vmul.f32 v29, v52  }
0x83: {  	v23 =	vadd.f32 v40, v23;
	[tilespmem:v22+s11+$0x0] =	vst.idx.msk $0xffff, v39;
	v22 =	vmul.f32 v29, v45  }
0x84: {  	v28 =	vmov s24;
	[tilespmem:v20+s11+$0x0] =	vst.idx.msk $0xffff, v21;
	v26 =	vadd.f32 v21, v26;
	v20 =	vmul.f32 v29, v50  }
0x85: {  	v21 =	vshll.u32 v28, $0x3;
	v28 =	vmul.f32 v29, v49;
	[tilespmem:v18+s11+$0x0] =	vst.idx.msk $0xffff, v22;
	v27 =	vadd.f32 v22, v27  }
0x86: {  	v31 =	vor.u32 v0, v21;
	[tilespmem:v16+s11+$0x0] =	vst.idx.msk $0xffff, v20;
	v30 =	vadd.f32 v20, v30  }
0x87: {  	v32 =	vor.u32 $0x1, v31;
	v21 =	vor.u32 $0x2, v31;
	v16 =	vor.u32 $0x7, v31;
	[tilespmem:v17+s11+$0x0] =	vst.idx.msk $0xffff, v28  }
0x88: {  	v22 =	vor.u32 $0x3, v31;
	v20 =	vor.u32 $0x4, v31;
	v17 =	vor.u32 $0x6, v31;
	[tilespmem:v19+s11+$0x0] =	vst.idx.msk $0xffff, v36  }
0x89: {  	v18 =	vor.u32 $0x5, v31;
	v38 =	vadd.f32 v28, v38;
	v36 =	vadd.f32 v36, v35;
	[tilespmem:v13+s11+$0x0] =	vst.idx.msk $0xffff, v40  }
0x8a: {  	v41 =	vadd.f32 v39, v34;
	[tilespmem:s20+$0x0] =	vst v24;
	s20 =	smov.u32 s21  }
0x8b: {  	[tilespmem:s19+$0x0] =	vst v29;
	s19 =	smov.u32 s22  }
0x8c: {  	v13 =	vld.idx.msk [tilespmem:v31+s2+$0x0], $0xffff  }
0x8d: {  	v19 =	vld.idx.msk [tilespmem:v16+s2+$0x0], $0xffff  }
0x8e: {  	v24 =	vld.idx.msk [tilespmem:v21+s2+$0x0], $0xffff  }
0x8f: {  	v28 =	vld.idx.msk [tilespmem:v32+s2+$0x0], $0xffff  }
0x90: {  	v29 =	vld.idx.msk [tilespmem:v18+s2+$0x0], $0xffff  }
0x91: {  	v34 =	vld.idx.msk [tilespmem:v17+s2+$0x0], $0xffff  }
0x92: {  	v35 =	vld.idx.msk [tilespmem:v20+s2+$0x0], $0xffff  }
0x93: {  	v39 =	vld.idx.msk [tilespmem:v22+s2+$0x0], $0xffff;
	_ =	sdelay $0x1  }
0x94: {  	vm14 =	vgt.f32 v28, v13  }
0x95: {  	v40 =	vsel vm14, v28, v13  }
0x96: {  	vm10 =	vgt.f32 v19, v34  }
0x97: {  	vm15 =	vgt.f32 v29, v35;
	v43 =	vsel vm10, v19, v34  }
0x98: {  	vm2 =	vgt.f32 v39, v24;
	v44 =	vsel vm15, v29, v35  }
0x99: {  	v45 =	vsel vm2, v39, v24;
	vm0 =	vgt.f32 v43, v44  }
0x9a: {  	vm3 =	vgt.f32 v45, v40;
	v43 =	vsel vm0, v43, v44  }
0x9b: {  	v40 =	vsel vm3, v45, v40  }
0x9c: {  	vm4 =	vgt.f32 v43, v40  }
0x9d: {  	v40 =	vsel vm4, v43, v40  }
0x9e: {  	v13 =	vsub.f32 v13, v40;
	v28 =	vsub.f32 v28, v40  }
0x9f: {  	v24 =	vsub.f32 v24, v40;
	v19 =	vsub.f32 v19, v40  }
0xa0: {  	v35 =	vsub.f32 v35, v40;
	v29 =	vsub.f32 v29, v40;
	v28 =	vmul.f32 $1.442695020e+00, v28  }
0xa1: {  	v34 =	vsub.f32 v34, v40;
	v13 =	vmul.f32 $1.442695020e+00, v13;
	v24 =	vmul.f32 $1.442695020e+00, v24  }
0xa2: {  	v39 =	vsub.f32 v39, v40;
	v19 =	vmul.f32 $1.442695020e+00, v19;
	(erf) = vpow2.f32 v28  }
0xa3: {  	v28 =	vmul.f32 $1.442695020e+00, v34;
	(erf) = vpow2.f32 v24  }
0xa4: {  	v24 =	vmul.f32 $1.442695020e+00, v35;
	(erf) = vpow2.f32 v19  }
0xa5: {  	v19 =	vmul.f32 $1.442695020e+00, v29;
	(erf) = vpow2.f32 v13  }
0xa6: {  	(erf) = vpow2.f32 v28  }
0xa7: {  	v13 =	vmul.f32 $1.442695020e+00, v39;
	(erf) = vpow2.f32 v19  }
0xa8: {  	(erf) = vpow2.f32 v24  }
0xa9: {  	(erf) = vpow2.f32 v13;
	_ =	sdelay $0x1  }
0xaa: {  	v13 =	vpop (erf)  }
0xab: {  	v19 =	vpop (erf)  }
0xac: {  	v24 =	vpop (erf)  }
0xad: {  	v28 =	vpop (erf)  }
0xae: {  	v29 =	vadd.f32 v13, v28;
	v40 =	vpop (erf)  }
0xaf: {  	v34 =	vadd.f32 v24, v40;
	v39 =	vpop (erf)  }
0xb0: {  	v35 =	vpop (erf)  }
0xb1: {  	v43 =	vadd.f32 v39, v35;
	v44 =	vpop (erf)  }
0xb2: {  	v45 =	vadd.f32 v44, v19  }
0xb3: {  	v34 =	vadd.f32 v34, v43  }
0xb4: {  	v29 =	vadd.f32 v45, v29;
	_ =	sdelay $0x1  }
0xb5: {  	v29 =	vadd.f32 v34, v29;
	_ =	sdelay $0x1  }
0xb6: {  	(erf) = vrcp.f32 v29;
	_ =	sdelay $0x8  }
0xb7: {  	v43 =	vpop (erf)  }
0xb8: {  	v28 =	vmul.f32 v43, v28;
	v34 =	vmul.f32 v43, v13  }
0xb9: {  	v29 =	vmul.f32 v43, v19;
	v35 =	vmul.f32 v43, v35  }
0xba: {  	v39 =	vmul.f32 v43, v39;
	[tilespmem:v31+s11+$0x0] =	vst.idx.msk $0xffff, v28;
	v31 =	vmul.f32 v43, v44  }
0xbb: {  	s24 =	sadd.s32 $0x10, s24;
	v40 =	vmul.f32 v43, v40;
	[tilespmem:v32+s11+$0x0] =	vst.idx.msk $0xffff, v34;
	v32 =	vmul.f32 v43, v24  }
0xbc: {  	v13 =	vmov s24;
	[tilespmem:v21+s11+$0x0] =	vst.idx.msk $0xffff, v29  }
0xbd: {  	v13 =	vshll.u32 v13, $0x3;
	[tilespmem:v22+s11+$0x0] =	vst.idx.msk $0xffff, v31  }
0xbe: {  	v19 =	vsel vm14, $0x1, v5;
	v21 =	vor.u32 v0, v13;
	v22 =	vsel vm10, $0x7, v3;
	[tilespmem:v20+s11+$0x0] =	vst.idx.msk $0xffff, v35  }
0xbf: {  	v24 =	vsel vm15, $0x5, v2;
	v13 =	vsel vm2, $0x3, v1;
	v20 =	vor.u32 $0x2, v21;
	[tilespmem:v18+s11+$0x0] =	vst.idx.msk $0xffff, v39  }
0xc0: {  	v13 =	vsel vm3, v13, v19;
	v19 =	vsel vm0, v22, v24;
	v18 =	vor.u32 $0x3, v21;
	[tilespmem:v17+s11+$0x0] =	vst.idx.msk $0xffff, v40  }
0xc1: {  	v22 =	vor.u32 $0x1, v21;
	v24 =	vsel vm4, v19, v13;
	[tilespmem:v16+s11+$0x0] =	vst.idx.msk $0xffff, v32;
	v16 =	vor.u32 $0x4, v21  }
0xc2: {  	vm2 =	veq.s32 v24, $0x3;
	vm3 =	veq.s32 v24, $0x4;
	vm0 =	veq.s32 v24, $0x5;
	[tilespmem:s21+$0xFFFFFFF0] =	vst v24  }
0xc3: {  	v17 =	vor.u32 $0x5, v21;
	v44 =	vsel vm3, $0x3F800000, v6;
	vm3 =	veq.s32 v24, $0x7;
	[tilespmem:s22+$0xFFFFFFF0] =	vst v43  }
0xc4: {  	vm4 =	veq.s32 v24, $0x2;
	v43 =	vsel vm3, $0x3F800000, v6  }
0xc5: {  	v45 =	vsel vm2, $0x3F800000, v6;
	vm2 =	veq.s32 v24, $0x6;
	v46 =	vld.idx.msk [tilespmem:v21+s2+$0x0], $0xffff  }
0xc6: {  	v19 =	vor.u32 $0x6, v21;
	v13 =	vor.u32 $0x7, v21;
	v47 =	vsel vm2, $0x3F800000, v6;
	v48 =	vld.idx.msk [tilespmem:v20+s2+$0x0], $0xffff  }
0xc7: {  	v49 =	vld.idx.msk [tilespmem:v18+s2+$0x0], $0xffff  }
0xc8: {  	v50 =	vld.idx.msk [tilespmem:v16+s2+$0x0], $0xffff  }
0xc9: {  	v51 =	vld.idx.msk [tilespmem:v22+s2+$0x0], $0xffff  }
0xca: {  	v52 =	vld.idx.msk [tilespmem:v17+s2+$0x0], $0xffff  }
0xcb: {  	v53 =	vld.idx.msk [tilespmem:v19+s2+$0x0], $0xffff  }
0xcc: {  	v54 =	vld.idx.msk [tilespmem:v13+s2+$0x0], $0xffff  }
0xcd: {  	v55 =	vsel vm4, $0x3F800000, v6;
	vm2 =	vgt.f32 v49, v48  }
0xce: {  	vm4 =	veq.s32 v24, $0x1;
	v33 =	vadd.f32 v55, v33;
	vm3 =	veq.s32 v24, $0x0  }
0xcf: {  	v55 =	vsel vm4, $0x3F800000, v6;
	v24 =	vsel vm3, $0x3F800000, v6;
	vm3 =	vgt.f32 v51, v46  }
0xd0: {  	v57 =	vsel vm2, v49, v48;
	v56 =	vsel vm3, v51, v46;
	vm4 =	vgt.f32 v52, v50  }
0xd1: {  	v37 =	vadd.f32 v55, v37;
	v42 =	vadd.f32 v24, v42;
	vm10 =	vgt.f32 v57, v56  }
0xd2: {  	v15 =	vadd.f32 v47, v15;
	v24 =	vsel vm0, $0x3F800000, v6;
	vm0 =	vgt.f32 v54, v53  }
0xd3: {  	v47 =	vsel vm2, $0x3, v1;
	v55 =	vsel vm4, v52, v50;
	v58 =	vsel vm0, v54, v53  }
0xd4: {  	v59 =	vsel vm3, $0x1, v5;
	v60 =	vsel vm4, $0x5, v2;
	vm2 =	vgt.f32 v58, v55  }
0xd5: {  	v56 =	vsel vm10, v57, v56;
	v61 =	vsel vm0, $0x7, v3;
	v55 =	vsel vm2, v58, v55  }
0xd6: {  	v47 =	vsel vm10, v47, v59;
	v57 =	vsel vm2, v61, v60;
	vm0 =	vgt.f32 v55, v56  }
0xd7: {  	v12 =	vadd.f32 v24, v12;
	v55 =	vsel vm0, v55, v56;
	v24 =	vsel vm0, v57, v47  }
0xd8: {  	v46 =	vsub.f32 v46, v55;
	vm0 =	veq.s32 v24, $0x1;
	vm3 =	veq.s32 v24, $0x2  }
0xd9: {  	v47 =	vsub.f32 v48, v55;
	v48 =	vsub.f32 v54, v55;
	vm4 =	veq.s32 v24, $0x4  }
0xda: {  	v50 =	vsub.f32 v50, v55;
	v52 =	vsub.f32 v52, v55;
	v46 =	vmul.f32 $1.442695020e+00, v46  }
0xdb: {  	v51 =	vsub.f32 v51, v55;
	v53 =	vsub.f32 v53, v55;
	v47 =	vmul.f32 $1.442695020e+00, v47  }
0xdc: {  	v49 =	vsub.f32 v49, v55;
	v50 =	vmul.f32 $1.442695020e+00, v50;
	v52 =	vmul.f32 $1.442695020e+00, v52  }
0xdd: {  	vm2 =	veq.s32 v24, $0x0;
	v53 =	vmul.f32 $1.442695020e+00, v53;
	v48 =	vmul.f32 $1.442695020e+00, v48  }
0xde: {  	v54 =	vsel vm3, $0x3F800000, v6;
	v51 =	vmul.f32 $1.442695020e+00, v51;
	v49 =	vmul.f32 $1.442695020e+00, v49  }
0xdf: {  	v11 =	vadd.f32 v44, v11;
	vm3 =	veq.s32 v24, $0x5;
	(erf) = vpow2.f32 v48  }
0xe0: {  	vm10 =	veq.s32 v24, $0x3;
	v44 =	vsel vm4, $0x3F800000, v6;
	(erf) = vpow2.f32 v46  }
0xe1: {  	v10 =	vadd.f32 v43, v10;
	v11 =	vadd.f32 v44, v11;
	(erf) = vpow2.f32 v49  }
0xe2: {  	vm14 =	veq.s32 v24, $0x7;
	vm4 =	veq.s32 v24, $0x6;
	(erf) = vpow2.f32 v51  }
0xe3: {  	v43 =	vsel vm3, $0x3F800000, v6;
	v46 =	vsel vm4, $0x3F800000, v6;
	(erf) = vpow2.f32 v53  }
0xe4: {  	v12 =	vadd.f32 v43, v12;
	v43 =	vsel vm14, $0x3F800000, v6;
	(erf) = vpow2.f32 v52  }
0xe5: {  	v14 =	vadd.f32 v45, v14;
	v10 =	vadd.f32 v43, v10;
	(erf) = vpow2.f32 v50  }
.Ltmp0:
0xe6: {  	v45 =	vsel vm0, $0x3F800000, v6;
	v43 =	vsel vm2, $0x3F800000, v6;
	(erf) = vpow2.f32 v47;
	(pc) =	sbr.rel @p1 .LBB2_2-.Ltmp0, $4  }
0xe7: {  	v37 =	vadd.f32 v45, v37;
	v42 =	vadd.f32 v43, v42;
	v43 =	vsel vm10, $0x3F800000, v6  }
0xe8: {  	v33 =	vadd.f32 v54, v33;
	v14 =	vadd.f32 v43, v14;
	v44 =	vpop (erf)  }
0xe9: {  	v15 =	vadd.f32 v46, v15;
	v46 =	vpop (erf)  }
0xea: {  	v45 =	vpop (erf)  }
0xeb: {  	v47 =	vpop (erf)  }
0xec: {  	v48 =	vpop (erf)  }
0xed: {  	v49 =	vpop (erf)  }
0xee: {  	v50 =	vpop (erf)  }
0xef: {  	v53 =	vadd.f32 v47, v46;
	v43 =	vadd.f32 v44, v48;
	v52 =	vpop (erf)  }
0xf0: {  	v51 =	vadd.f32 v49, v50;
	v54 =	vadd.f32 v45, v52;
	_ =	sdelay $0x1  }
0xf1: {  	v43 =	vadd.f32 v43, v51;
	v53 =	vadd.f32 v54, v53;
	_ =	sdelay $0x1  }
0xf2: {  	v43 =	vadd.f32 v43, v53;
	_ =	sdelay $0x1  }
0xf3: {  	(erf) = vrcp.f32 v43;
	_ =	sdelay $0x4  }
0xf4: {  	v25 =	vadd.f32 v28, v25  }
0xf5: {  	v34 =	vadd.f32 v34, v41;
	v38 =	vadd.f32 v39, v38;
	v58 =	vperm.xlane v42, v4  }
0xf6: {  	v30 =	vadd.f32 v35, v30;
	v56 =	vadd.f32 v40, v36  }
0xf7: {  	v26 =	vadd.f32 v29, v26;
	v39 =	vadd.f32 v58, v42  }
0xf8: {  	v27 =	vadd.f32 v31, v27;
	v62 =	vperm.xlane v37, v4;
	v42 =	vperm.xlane v14, v4;
	v43 =	vpop (erf)  }
0xf9: {  	v32 =	vadd.f32 v32, v23;
	v61 =	vperm.xlane v39, v7;
	v28 =	vmul.f32 v43, v46  }
0xfa: {  	v37 =	vadd.f32 v62, v37;
	v36 =	vmul.f32 v43, v47;
	v31 =	vmul.f32 v43, v48  }
0xfb: {  	v14 =	vadd.f32 v42, v14;
	v23 =	vmul.f32 v43, v44;
	v29 =	vmul.f32 v43, v52  }
0xfc: {  	v39 =	vadd.f32 v61, v39;
	v41 =	vmul.f32 v43, v45;
	v40 =	vmul.f32 v43, v50  }
0xfd: {  	v45 =	vmul.f32 v43, v49;
	v25 =	vadd.f32 v28, v25;
	v34 =	vadd.f32 v36, v34  }
0xfe: {  	v49 =	vperm.xlane v39, v8;
	v32 =	vadd.f32 v23, v32;
	v26 =	vadd.f32 v29, v26  }
0xff: {  	v50 =	vperm.xlane v37, v7;
	v27 =	vadd.f32 v41, v27;
	v30 =	vadd.f32 v40, v30  }
0x100: {  	v38 =	vadd.f32 v45, v38;
	v39 =	vadd.f32 v49, v39  }
0x101: {  	v37 =	vadd.f32 v50, v37;
	v35 =	vadd.f32 v31, v56;
	v50 =	vperm.xlane v11, v4  }
0x102: {  	[tilespmem:v21+s11+$0x0] =	vst.idx.msk $0xffff, v28;
	v57 =	vperm.xlane v25, v4;
	v59 =	vperm.xlane v34, v4  }
0x103: {  	[tilespmem:v22+s11+$0x0] =	vst.idx.msk $0xffff, v36;
	v51 =	vperm.xlane v26, v4;
	v54 =	vperm.xlane v39, v9  }
0x104: {  	v55 =	vperm.xlane v37, v8;
	v61 =	vperm.xlane v27, v4;
	[tilespmem:v20+s11+$0x0] =	vst.idx.msk $0xffff, v29  }
0x105: {  	vm0 =	vmmov $0x1;
	v11 =	vadd.f32 v50, v11;
	[tilespmem:v18+s11+$0x0] =	vst.idx.msk $0xffff, v41;
	v25 =	vadd.f32 v57, v25  }
0x106: {  	v41 =	vperm.xlane v15, v4;
	v34 =	vadd.f32 v59, v34;
	v26 =	vadd.f32 v51, v26  }
0x107: {  	v39 =	vadd.f32 v54, v39;
	v57 =	vperm.xlane v33, v4;
	v37 =	vadd.f32 v55, v37  }
0x108: {  	vm2 =	vcmask $0x700;
	v27 =	vadd.f32 v61, v27;
	v54 =	vperm.xlane v11, v7;
	[tilespmem:v16+s11+$0x0] =	vst.idx.msk $0xffff, v40  }
0x109: {  	vm3 =	vcmask $0x2720;
	[tilespmem:v17+s11+$0x0] =	vst.idx.msk $0xffff, v45;
	v15 =	vadd.f32 v41, v15;
	v45 =	vperm.xlane v10, v4  }
0x10a: {  	v60 =	vperm.xlane v25, v7;
	v63 =	vperm.xlane v34, v7;
	v33 =	vadd.f32 v57, v33  }
0x10b: {  	v46 =	vperm.xlane v26, v7;
	v11 =	vadd.f32 v54, v11;
	v10 =	vadd.f32 v45, v10  }
0x10c: {  	v58 =	vperm.xlane v37, v9;
	v25 =	vadd.f32 v60, v25;
	v34 =	vadd.f32 v63, v34  }
0x10d: {  	v26 =	vadd.f32 v46, v26;
	v60 =	vperm.xlane v33, v7;
	v46 =	vperm.xlane v30, v4  }
0x10e: {  	v62 =	vadd.f32 v58, v37;
	v37 =	vperm.xlane v12, v4;
	v48 =	vperm.xlane v25, v8  }
0x10f: {  	v52 =	vperm.xlane v34, v8;
	v59 =	vperm.xlane v26, v8;
	v63 =	vadd.f32 v60, v33  }
0x110: {  	v49 =	vadd.f32 v46, v30;
	v33 =	vperm.xlane v14, v7;
	v12 =	vadd.f32 v37, v12  }
0x111: {  	v60 =	vperm.xlane v38, v4;
	v25 =	vadd.f32 v48, v25;
	v34 =	vadd.f32 v52, v34  }
0x112: {  	v26 =	vadd.f32 v59, v26;
	v47 =	vperm.xlane v63, v8;
	v48 =	vperm.xlane v27, v7  }
0x113: {  	v51 =	vperm.xlane v49, v7;
	v14 =	vadd.f32 v33, v14;
	v59 =	vperm.xlane v11, v8  }
0x114: {  	v29 =	vadd.f32 v60, v38;
	v42 =	vperm.xlane v12, v7;
	v53 =	vperm.xlane v25, v9  }
0x115: {  	v56 =	vperm.xlane v34, v9;
	v28 =	vadd.f32 v47, v63;
	v27 =	vadd.f32 v48, v27  }
0x116: {  	v44 =	vperm.xlane v26, v9;
	v22 =	vadd.f32 v51, v49;
	v11 =	vadd.f32 v59, v11  }
0x117: {  	v36 =	vperm.xlane v29, v7;
	v12 =	vadd.f32 v42, v12;
	v49 =	vperm.xlane v15, v7  }
0x118: {  	v25 =	vadd.f32 v53, v25;
	v52 =	vperm.xlane v28, v9;
	v53 =	vperm.xlane v27, v8  }
0x119: {  	v34 =	vadd.f32 v56, v34;
	v56 =	vperm.xlane v14, v8;
	v57 =	vperm.xlane v22, v8  }
0x11a: {  	v38 =	vadd.f32 v36, v29;
	v50 =	vperm.xlane v12, v8;
	v15 =	vadd.f32 v49, v15  }
0x11b: {  	v25 =	vsel vm0, v25, v39;
	vm0 =	vcmask $0x2320;
	v55 =	vadd.f32 v52, v28  }
0x11c: {  	v27 =	vadd.f32 v53, v27;
	v14 =	vadd.f32 v56, v14;
	v39 =	vperm.xlane v35, v4  }
0x11d: {  	v20 =	vadd.f32 v57, v22;
	v40 =	vperm.xlane v38, v8;
	v52 =	vperm.xlane v10, v7  }
0x11e: {  	[tilespmem:v19+s11+$0x0] =	vst.idx.msk $0xffff, v31;
	v54 =	vperm.xlane v15, v8;
	v25 =	vsel vm1, v25, v34;
	vm0 =	vmor vm2, vm0  }
0x11f: {  	v34 =	vperm.xlane v11, v9;
	v21 =	vsel vm0, v25, v62;
	v25 =	vadd.f32 v44, v26  }
0x120: {  	[tilespmem:v13+s11+$0x0] =	vst.idx.msk $0xffff, v23;
	vm0 =	vmor vm2, vm3;
	vm2 =	vcmask $0xB00;
	v58 =	vperm.xlane v27, v9  }
0x121: {  	v62 =	vperm.xlane v14, v9;
	v63 =	vperm.xlane v20, v9;
	v16 =	vadd.f32 v39, v35  }
0x122: {  	v44 =	vperm.xlane v32, v4;
	v10 =	vadd.f32 v52, v10;
	v13 =	vadd.f32 v54, v15  }
0x123: {  	v11 =	vadd.f32 v34, v11;
	v21 =	vsel vm0, v21, v25;
	v61 =	vadd.f32 v58, v27  }
0x124: {  	vm0 =	vmor vm2, vm3;
	v14 =	vadd.f32 v62, v14;
	v33 =	vadd.f32 v63, v20  }
0x125: {  	v46 =	vperm.xlane v16, v7;
	v21 =	vsel vm0, v21, v55;
	vm0 =	vmor vm2, vm5  }
0x126: {  	v47 =	vadd.f32 v44, v32;
	v30 =	vsel vm0, v21, v61;
	vm0 =	vmor vm6, vm5  }
0x127: {  	v16 =	vadd.f32 v46, v16;
	v14 =	vsel vm0, v30, v14;
	vm0 =	vmor vm6, vm7  }
0x128: {  	v51 =	vperm.xlane v47, v7;
	v14 =	vsel vm0, v14, v33;
	vm0 =	vmor vm8, vm7  }
0x129: {  	v53 =	vperm.xlane v16, v8;
	v11 =	vsel vm0, v14, v11;
	v14 =	vadd.f32 v40, v38  }
0x12a: {  	v12 =	vadd.f32 v50, v12;
	v57 =	vperm.xlane v10, v8;
	v18 =	vadd.f32 v51, v47  }
0x12b: {  	v59 =	vperm.xlane v13, v9;
	v16 =	vadd.f32 v53, v16;
	v48 =	vperm.xlane v14, v9  }
0x12c: {  	v55 =	vperm.xlane v12, v9;
	v10 =	vadd.f32 v57, v10;
	v56 =	vperm.xlane v18, v8  }
0x12d: {  	v13 =	vadd.f32 v59, v13;
	v58 =	vperm.xlane v16, v9;
	v14 =	vadd.f32 v48, v14  }
0x12e: {  	v12 =	vadd.f32 v55, v12;
	vm0 =	vmor vm8, vm9;
	v17 =	vadd.f32 v56, v18  }
0x12f: {  	[tilespmem:s20+$0x0] =	vst v24;
	v60 =	vadd.f32 v58, v16;
	v11 =	vsel vm0, v11, v14;
	vm0 =	vmor vm11, vm9  }
0x130: {  	[tilespmem:s19+$0x0] =	vst v43;
	v61 =	vperm.xlane v17, v9;
	v11 =	vsel vm0, v11, v12;
	vm0 =	vmor vm11, vm12  }
0x131: {  	[hbm4b:s4+s2] =	stream.linear.scatter [tilespmem:s11], [sflag:$0x1], $0x2000, $0x38;
	v62 =	vperm.xlane v10, v9;
	v11 =	vsel vm0, v11, v60;
	vm0 =	vcmask $0x1B00;
	[tilespmem:$0x4990] =	vst v63  }
0x132: {  	v63 =	vadd.f32 v61, v17;
	vm0 =	vmor vm0, vm12  }
0x133: {  	[hbm4b:s5+s2] =	stream.linear.scatter [tilespmem:s12], [sflag:$0x2], $0x400, $0x38;
	v10 =	vadd.f32 v62, v10;
	v11 =	vsel vm0, v11, v13;
	[tilespmem:$0x4990] =	vst v63  }
0x134: {  	vm0 =	vmmov $0x7fff;
	v11 =	vsel vm13, v11, v63  }
0x135: {  	[hbm4b:s6+s2] =	stream.linear.scatter [tilespmem:s13], [sflag:$0x3], $0x400, $0x38;
	v10 =	vsel vm0, v11, v10;
	[tilespmem:$0x4990] =	vst v63  }
0x136: {  	[tilespmem:$0x4800] =	vst v10  }
0x137: {  	[spmem:s7] =	stream.linear.scatter [tilespmem:s14], [sflag:$0x4], $0x10, $0x38;
	[tilespmem:$0x4990] =	vst v63  }
0x138: {  	_ =	swait.ge [sflag:s10], $0x10  }
0x139: {  	[sflag:s10] =	ssyncset.done $0x0  }
0x13a: {  	[sflag:s10] =	ssyncadd.s32 $0xFFFFFFF0  }
0x13b: {  	s19 =	simm.s32 @!p0 $0x4880;
	[bflag:$0x0] =	sbarrier.arrive $0xFFFF  }
0x13c: {  	[tilespmem:s19], [sflag:$0x4] =	stream.linear.gather @!p0 [spmem:s1], $0x100, $0x38;
	[tilespmem:$0x4990] =	vst v63  }
0x13d: {  	s19 =	simm.s32 @!p0 $0x4  }
0x13e: {  	_ =	swait.ge @!p0 [sflag:s19], $0x100  }
0x13f: {  	[sflag:s19] =	ssyncset.done @!p0 $0x0  }
0x140: {  	[sflag:s19] =	ssyncadd.s32 @!p0 $0xFFFFFF00  }
0x141: {  	v10 =	vld @!p0 [tilespmem:$0x4880];
	_ =	sdelay $0x1  }
0x142: {  	v11 =	vld @!p0 [tilespmem:$0x4890];
	_ =	sdelay $0x1  }
0x143: {  	v12 =	vld @!p0 [tilespmem:$0x48A0]  }
0x144: {  	v10 =	vadd.f32 @!p0 $0.0e+00, v10  }
0x145: {  	v13 =	vld @!p0 [tilespmem:$0x48B0]  }
0x146: {  	v10 =	vadd.f32 @!p0 v11, v10  }
0x147: {  	v11 =	vld @!p0 [tilespmem:$0x48C0]  }
0x148: {  	v10 =	vadd.f32 @!p0 v12, v10  }
0x149: {  	v12 =	vld @!p0 [tilespmem:$0x48D0]  }
0x14a: {  	v10 =	vadd.f32 @!p0 v13, v10  }
0x14b: {  	v13 =	vld @!p0 [tilespmem:$0x48E0]  }
0x14c: {  	v10 =	vadd.f32 @!p0 v11, v10  }
0x14d: {  	v11 =	vld @!p0 [tilespmem:$0x48F0]  }
0x14e: {  	v10 =	vadd.f32 @!p0 v12, v10  }
0x14f: {  	v12 =	vld @!p0 [tilespmem:$0x4900]  }
0x150: {  	v10 =	vadd.f32 @!p0 v13, v10  }
0x151: {  	v13 =	vld @!p0 [tilespmem:$0x4910]  }
0x152: {  	v10 =	vadd.f32 @!p0 v11, v10  }
0x153: {  	v11 =	vld @!p0 [tilespmem:$0x4920]  }
0x154: {  	v10 =	vadd.f32 @!p0 v12, v10  }
0x155: {  	v12 =	vld @!p0 [tilespmem:$0x4930]  }
0x156: {  	v10 =	vadd.f32 @!p0 v13, v10  }
0x157: {  	v13 =	vld @!p0 [tilespmem:$0x4940]  }
0x158: {  	v10 =	vadd.f32 @!p0 v11, v10  }
0x159: {  	v11 =	vld @!p0 [tilespmem:$0x4950]  }
0x15a: {  	v10 =	vadd.f32 @!p0 v12, v10  }
0x15b: {  	v12 =	vld @!p0 [tilespmem:$0x4960]  }
0x15c: {  	v10 =	vadd.f32 @!p0 v13, v10  }
0x15d: {  	v13 =	vld @!p0 [tilespmem:$0x4970]  }
0x15e: {  	v10 =	vadd.f32 @!p0 v11, v10;
	_ =	sdelay $0x1  }
0x15f: {  	v10 =	vadd.f32 @!p0 v12, v10;
	_ =	sdelay $0x1  }
0x160: {  	v10 =	vadd.f32 @!p0 v13, v10;
	_ =	sdelay $0x1  }
0x161: {  	s21 =	simm.s32 @!p0 $0x4800;
	s20 =	simm.s32 @!p0 $0x0;
	[tilespmem:$0x4800] =	vst @!p0 v10  }
0x162: {  	[hbm4b:s8+s20] =	stream.linear.scatter @!p0 [tilespmem:s21], [sflag:$0x4], $0x80, $0x38;
	[tilespmem:$0x4990] =	vst v63  }
0x163: {  	_ =	swait.ge @!p0 [sflag:s19], $0x80  }
0x164: {  	[sflag:s19] =	ssyncset.done @!p0 $0x0  }
0x165: {  	[sflag:s19] =	ssyncadd.s32 @!p0 $0xFFFFFF80  }
0x166: {  	_ =	swait.ge [sflag:s15], $0x2000  }
0x167: {  	[sflag:s15] =	ssyncset.done $0x0  }
0x168: {  	s18 =	sadd.s32 $0x1, s18;
	[sflag:s15] =	ssyncadd.s32 $0xFFFFE000  }
0x169: {  	p1 =	sne.s32 s18, s9;
	_ =	swait.ge [sflag:s16], $0x400  }
.Ltmp1:
0x16a: {  	[sflag:s16] =	ssyncset.done $0x0;
	(pc) =	sbr.rel @p1 .LBB2_1-.Ltmp1, $4  }
0x16b: {  	[sflag:s16] =	ssyncadd.s32 $0xFFFFFC00  }
0x16c: {  	_ =	swait.ge [sflag:s17], $0x400  }
0x16d: {  	[sflag:s17] =	ssyncset.done $0x0  }
0x16e: {  	[sflag:s17] =	ssyncadd.s32 $0xFFFFFC00  }
0x16f: {  	_ =	sfence.sel $0x180000  }
0x170: {  	[bflag:$0x0] =	sbarrier.arrive $0xFFFF  }
0x171: {  	_ =	strace $0x90000047  }
0x172: {  	s0 =	sadd.s32 @!p0 $0x100000, s0;
	[bflag:$0x2] =	sbarrier.arrive $0xFFFF  }
0x173: {  	[sflag:s0] =	ssyncadd.tile.s32 @!p0 $0x1;
	_ =	shalt  }
.Lfunc_end2:
_tile_overlayer_lowered:
.L_overlay_start_2:
0x174: {  	(tag) =	ssettag $0x2  }
0x175: {  	s0 =	rddreg [dreg:$0x0];
	s2 =	stileid.u32  }
0x176: {  	s1 =	rddreg [dreg:$0x1];
	p0 =	sne.s32 s2, $0x0  }
0x177: {  	s3 =	rddreg [dreg:$0x2];
	[bflag:$0x3] =	sbarrier.arrive $0xFFFF;
	s2 =	simm.s32 @!p0 $0x1C04  }
0x178: {  	[timem:s3], [sflag:s2] =	dma.local @!p0 [hbm:s0], s1  }
0x179: {  	s0 =	simm.s32 @!p0 $0x4  }
0x17a: {  	_ =	swait.ge @!p0 [sflag:s0], s1  }
0x17b: {  	s1 =	ssub.s32 @!p0 $0x0, s1;
	[sflag:s0] =	ssyncset.done @!p0 $0x0  }
0x17c: {  	[sflag:s0] =	ssyncadd.s32 @!p0 s1  }
0x17d: {  	[bflag:$0x3] =	sbarrier.arrive $0xFFFF  }
0x17e: {  	_ =	shalt  }

</sc_bundles>
